<compile_context>
chip_gen: v7x
topology: tpu7x:2x2x1
jax: 0.10.2.dev20260603
libtpu: 0.0.44.dev20260713+nightly
codegen_flags: <defaults>
</compile_context>

<pallas_src>
import functools

import numpy as np

import jax
import jax.numpy as jnp
from jax import lax
from jax.experimental import pallas as pl
from jax.experimental.pallas import tpu as pltpu
from jax.experimental.pallas import tpu_sc as plsc

NC = 2
NS = 16
NW = NC * NS
LANES = 16
CHUNK = 128


def _sc_mesh():
    return plsc.VectorSubcoreMesh(
        core_axis_name="c", subcore_axis_name="s",
        num_cores=NC, num_subcores=NS)


def _make_deg_kernel(n_pad, t):
    n_slab = n_pad // NS

    @functools.partial(
        pl.kernel,
        out_type=jax.ShapeDtypeStruct((NC, n_pad), jnp.float32),
        mesh=_sc_mesh(),
        scratch_types=[
            pltpu.VMEM((t, CHUNK), jnp.int32),
            pltpu.VMEM((n_slab,), jnp.float32),
            pltpu.VMEM_SHARED((n_pad,), jnp.float32),
        ],
    )
    def deg_kernel(ei_hbm, deg_hbm, dst_v, ones_v, acc_sh):
        c = lax.axis_index("c")
        s = lax.axis_index("s")
        wid = c * NS + s
        pltpu.sync_copy(ei_hbm.at[1, wid], dst_v)

        zv = jnp.zeros((LANES,), jnp.float32)

        def fill_zero(r, carry):
            ones_v[pl.ds(r * LANES, LANES)] = zv
            return carry
        lax.fori_loop(0, n_slab // LANES, fill_zero, 0)

        pltpu.sync_copy(ones_v, acc_sh.at[pl.ds(s * n_slab, n_slab)])
        plsc.subcore_barrier()

        ov = jnp.full((LANES,), 1.0, jnp.float32)

        def fill_ones(r, carry):
            ones_v[pl.ds(r * LANES, LANES)] = ov
            return carry
        lax.fori_loop(0, CHUNK // LANES, fill_ones, 0)

        def body(j, carry):
            pltpu.sync_copy(ones_v.at[pl.ds(0, CHUNK)],
                            acc_sh.at[dst_v.at[j]], add=True)
            return carry
        lax.fori_loop(0, t, body, 0)

        plsc.subcore_barrier()
        pltpu.sync_copy(acc_sh.at[pl.ds(s * n_slab, n_slab)],
                        deg_hbm.at[c, pl.ds(s * n_slab, n_slab)])

    return deg_kernel


def _make_scatter_kernel(n_pad, t, d):
    n_slab = n_pad // NS
    n_zc = n_slab // CHUNK

    @functools.partial(
        pl.kernel,
        out_type=jax.ShapeDtypeStruct((NC, n_pad, d), jnp.float32),
        mesh=_sc_mesh(),
        scratch_types=[
            pltpu.VMEM((t, CHUNK), jnp.int32),
            pltpu.VMEM((t, CHUNK), jnp.int32),
            pltpu.VMEM((CHUNK, d), jnp.float32),
            pltpu.VMEM_SHARED((n_pad, d), jnp.float32),
            pltpu.SemaphoreType.DMA,
        ],
    )
    def scatter_kernel(z_hbm, ei_hbm, p_hbm,
                       src_v, dst_v, rows_v, acc_sh, sem):
        c = lax.axis_index("c")
        s = lax.axis_index("s")
        wid = c * NS + s
        pltpu.sync_copy(ei_hbm.at[0, wid], src_v)
        pltpu.sync_copy(ei_hbm.at[1, wid], dst_v)

        @pl.when(c == 0)
        def _():
            pltpu.sync_copy(z_hbm.at[pl.ds(s * n_slab, n_slab)],
                            acc_sh.at[pl.ds(s * n_slab, n_slab)])

        @pl.when(c == 1)
        def _():
            zv = jnp.zeros((LANES,), jnp.float32)

            def fill_zero(r, carry):
                for q in range(d // LANES):
                    rows_v[r, pl.ds(q * LANES, LANES)] = zv
                return carry
            lax.fori_loop(0, CHUNK, fill_zero, 0)
            for i in range(n_zc):
                pltpu.sync_copy(
                    rows_v, acc_sh.at[pl.ds(s * n_slab + i * CHUNK, CHUNK)])

        plsc.subcore_barrier()

        def body(j, carry):
            pltpu.async_copy(z_hbm.at[src_v.at[j]], rows_v, sem).wait()
            pltpu.sync_copy(rows_v, acc_sh.at[dst_v.at[j]], add=True)
            return carry
        lax.fori_loop(0, t, body, 0)

        plsc.subcore_barrier()
        pltpu.sync_copy(acc_sh.at[pl.ds(s * n_slab, n_slab)],
                        p_hbm.at[c, pl.ds(s * n_slab, n_slab)])

    return scatter_kernel


def _mm_body(x_ref, w_ref, deg_ref, z_ref):
    bm = x_ref.shape[0]
    d = deg_ref[0, 0] + deg_ref[1, 0] + 1.0
    dinv = lax.rsqrt(jnp.maximum(d, 1e-12)).reshape(bm, 1)
    xw = jnp.dot(x_ref[:], w_ref[:], preferred_element_type=jnp.float32)
    z_ref[:] = xw * dinv


def _fin_body(p_ref, deg_ref, b_ref, o_ref):
    bm = p_ref.shape[1]
    d = deg_ref[0, 0] + deg_ref[1, 0] + 1.0
    dinv = lax.rsqrt(jnp.maximum(d, 1e-12)).reshape(bm, 1)
    agg = p_ref[0] + p_ref[1]
    o_ref[:] = agg * dinv + b_ref[:]


def kernel(x, edge_index, W, b):
    n, d_in = x.shape
    d_out = W.shape[1]
    e = edge_index.shape[1]

    n_pad = ((n + 1 + 2047) // 2048) * 2048
    e_pad = -(-e // (NW * CHUNK)) * (NW * CHUNK)
    t = e_pad // (NW * CHUNK)
    bm = 2048

    pad = e_pad - e
    ei = edge_index
    if pad:
        dummy = np.empty((2, pad), np.int32)
        dummy[0] = n
        dummy[1] = n + 1 + np.arange(pad, dtype=np.int32) % (n_pad - n - 1)
        ei = jnp.concatenate([ei, jnp.asarray(dummy)], axis=1)
    ei4 = ei.reshape(2, NW, t, CHUNK)
    x_pad = jnp.concatenate(
        [x, jnp.zeros((n_pad - n, d_in), x.dtype)], axis=0)

    deg = _make_deg_kernel(n_pad, t)(ei4)
    deg3 = deg.reshape(NC, n_pad // bm, 1, bm)

    z = pl.pallas_call(
        _mm_body,
        grid=(n_pad // bm,),
        in_specs=[
            pl.BlockSpec((bm, d_in), lambda i: (i, 0)),
            pl.BlockSpec((d_in, d_out), lambda i: (0, 0)),
            pl.BlockSpec((NC, 1, 1, bm), lambda i: (0, i, 0, 0)),
        ],
        out_specs=pl.BlockSpec((bm, d_out), lambda i: (i, 0)),
        out_shape=jax.ShapeDtypeStruct((n_pad, d_out), jnp.float32),
    )(x_pad, W, deg3)

    p = _make_scatter_kernel(n_pad, t, d_out)(z, ei4)

    out = pl.pallas_call(
        _fin_body,
        grid=(n_pad // bm,),
        in_specs=[
            pl.BlockSpec((NC, bm, d_out), lambda i: (0, i, 0)),
            pl.BlockSpec((NC, 1, 1, bm), lambda i: (0, i, 0, 0)),
            pl.BlockSpec((1, d_out), lambda i: (0, 0)),
        ],
        out_specs=pl.BlockSpec((bm, d_out), lambda i: (i, 0)),
        out_shape=jax.ShapeDtypeStruct((n_pad, d_out), jnp.float32),
    )(p, deg3, b.reshape(1, d_out))

    return out[:n]

# --- scband reference (transcript-rebuilt; emitter-appended) ---
"""Pipeline reference for scband-classical-gnnlayers-5059471475174 (READ-ONLY COPY).

The authoritative reference and input builder live on the scoring server;
editing this copy changes nothing except your own understanding.
"""

import jax, jax.numpy as jnp
import numpy as np

N = 10000
E = 320000
D_IN = 128
D_OUT = 128


def setup_inputs(seed: int = 0) -> dict:
    key = jax.random.key(seed)
    k1, k2, k3 = jax.random.split(key, 3)
    x = jax.random.normal(k1, (N, D_IN), dtype=jnp.float32)
    edge_index = jax.random.randint(k2, (2, E), 0, N, dtype=jnp.int32)
    W = jax.random.normal(k3, (D_IN, D_OUT), dtype=jnp.float32) / np.sqrt(D_IN)
    b = jnp.zeros((D_OUT,), dtype=jnp.float32)
    return {"x": x, "edge_index": edge_index, "W": W, "b": b}


def reference(x, edge_index, W, b):
    # ClassicalGNNLayers with layer_name='GCNConv', input_feat_flag=False:
    # node_feat = data.x; out = GCNConv(x, edge_index)
    # GCNConv: add self-loops, symmetric normalization, scatter-add aggregation.
    src = edge_index[0]
    dst = edge_index[1]
    loop = jnp.arange(N, dtype=src.dtype)
    src = jnp.concatenate([src, loop], axis=0)
    dst = jnp.concatenate([dst, loop], axis=0)
    # degree w.r.t. destination (in-degree incl. self loop)
    deg = jax.ops.segment_sum(jnp.ones_like(dst, dtype=jnp.float32), dst, num_segments=N)
    dinv = jax.lax.rsqrt(jnp.maximum(deg, 1e-12))
    norm = dinv[src] * dinv[dst]
    xw = x @ W  # linear transform first (standard GCNConv)
    msg = jnp.take(xw, src, axis=0) * norm[:, None]
    out = jax.ops.segment_sum(msg, dst, num_segments=N) + b
    return out

if __name__ == "__main__":
    import jax
    _d = setup_inputs()
    print(jax.jit(kernel)(*tuple(_d.values())))

</pallas_src>

<mosaic_0001>
#map = affine_map<(d0, d1) -> (0, 0)>
#map1 = affine_map<(d0, d1) -> (0, 0, 0, 0)>
#map2 = affine_map<(d0, d1) -> (0, 0, 0)>
module attributes {stable_mosaic.version = 14 : i64} {
  func.func @scatter_kernel(%arg0: i32, %arg1: i32, %arg2: memref<10240x128xf32, #tpu.memory_space<hbm>>, %arg3: memref<2x32x79x128xi32, #tpu.memory_space<hbm>>, %arg4: memref<2x10240x128xf32, #tpu.memory_space<hbm>>, %arg5: memref<79x128xi32, #tpu.memory_space<vmem>>, %arg6: memref<79x128xi32, #tpu.memory_space<vmem>>, %arg7: memref<128x128xf32, #tpu.memory_space<vmem>>, %arg8: memref<10240x128xf32, #tpu.memory_space<vmem_shared>>, %arg9: memref<!tpu.dma_semaphore, #tpu.memory_space<semaphore_mem>>) attributes {dimension_semantics = [#tpu.dimension_semantics<core_parallel>, #tpu.dimension_semantics<subcore_parallel>], iteration_bounds = array<i64: 2, 16>, scalar_prefetch = 0 : i64, scratch_operands = 5 : i64, tpu.core_type = #tpu.core_type<sc_vector_subcore>, window_params = [{transform_indices = #map}, {transform_indices = #map1}, {transform_indices = #map2}]} {
    %mul3A = arith.constant 16 : i32
    %mul3A_0 = arith.muli %arg0, %mul3A : i32
    %add3A = arith.addi %mul3A_0, %arg1 : i32
    %run_scoped3A = arith.constant 0 : i32
    "tpu.region"() ({
      %run_scoped3A_19 = tpu.sem_alloc : memref<!tpu.dma_semaphore, #tpu.memory_space<semaphore_mem>>
      %dma_start3A = arith.constant 0 : i32
      %dma_start3A_20 = arith.constant 0 : i32
      %dma_start3A_21 = tpu.memref_slice %arg3[%run_scoped3A, %add3A, %dma_start3A, %dma_start3A_20] : memref<2x32x79x128xi32, #tpu.memory_space<hbm>> -> memref<1x1x79x128xi32, #tpu.memory_space<hbm>>
      %dma_start3A_22 = tpu.memref_squeeze %dma_start3A_21 : memref<1x1x79x128xi32, #tpu.memory_space<hbm>> -> memref<79x128xi32, #tpu.memory_space<hbm>>
      %dma_start3A_23 = arith.constant 0 : i32
      %dma_start3A_24 = arith.constant 0 : i32
      %dma_start3A_25 = tpu.memref_slice %arg3[%run_scoped3A, %add3A, %dma_start3A_23, %dma_start3A_24] : memref<2x32x79x128xi32, #tpu.memory_space<hbm>> -> memref<1x1x79x128xi32, #tpu.memory_space<hbm>>
      %dma_start3A_26 = tpu.memref_squeeze %dma_start3A_25 : memref<1x1x79x128xi32, #tpu.memory_space<hbm>> -> memref<79x128xi32, #tpu.memory_space<hbm>>
      tpu.enqueue_dma source(%dma_start3A_26 : memref<79x128xi32, #tpu.memory_space<hbm>>) target(%arg5 : memref<79x128xi32, #tpu.memory_space<vmem>>) target_semaphore(%run_scoped3A_19 : memref<!tpu.dma_semaphore, #tpu.memory_space<semaphore_mem>>)
      %dma_wait3A = arith.constant 0 : i32
      %dma_wait3A_27 = arith.constant 0 : i32
      %dma_wait3A_28 = tpu.memref_slice %arg3[%run_scoped3A, %add3A, %dma_wait3A, %dma_wait3A_27] : memref<2x32x79x128xi32, #tpu.memory_space<hbm>> -> memref<1x1x79x128xi32, #tpu.memory_space<hbm>>
      %dma_wait3A_29 = tpu.memref_squeeze %dma_wait3A_28 : memref<1x1x79x128xi32, #tpu.memory_space<hbm>> -> memref<79x128xi32, #tpu.memory_space<hbm>>
      %dma_wait3A_30 = arith.constant 0 : i32
      %dma_wait3A_31 = arith.constant 0 : i32
      %dma_wait3A_32 = tpu.memref_slice %arg3[%run_scoped3A, %add3A, %dma_wait3A_30, %dma_wait3A_31] : memref<2x32x79x128xi32, #tpu.memory_space<hbm>> -> memref<1x1x79x128xi32, #tpu.memory_space<hbm>>
      %dma_wait3A_33 = tpu.memref_squeeze %dma_wait3A_32 : memref<1x1x79x128xi32, #tpu.memory_space<hbm>> -> memref<79x128xi32, #tpu.memory_space<hbm>>
      tpu.wait_dma2 semaphore(%run_scoped3A_19 : memref<!tpu.dma_semaphore, #tpu.memory_space<semaphore_mem>>) src(%dma_wait3A_33 : memref<79x128xi32, #tpu.memory_space<hbm>>) dst(%arg5 : memref<79x128xi32, #tpu.memory_space<vmem>>)
      tpu.yield
    }) : () -> ()
    %run_scoped3A_1 = arith.constant 1 : i32
    "tpu.region"() ({
      %run_scoped3A_19 = tpu.sem_alloc : memref<!tpu.dma_semaphore, #tpu.memory_space<semaphore_mem>>
      %dma_start3A = arith.constant 0 : i32
      %dma_start3A_20 = arith.constant 0 : i32
      %dma_start3A_21 = tpu.memref_slice %arg3[%run_scoped3A_1, %add3A, %dma_start3A, %dma_start3A_20] : memref<2x32x79x128xi32, #tpu.memory_space<hbm>> -> memref<1x1x79x128xi32, #tpu.memory_space<hbm>>
      %dma_start3A_22 = tpu.memref_squeeze %dma_start3A_21 : memref<1x1x79x128xi32, #tpu.memory_space<hbm>> -> memref<79x128xi32, #tpu.memory_space<hbm>>
      %dma_start3A_23 = arith.constant 0 : i32
      %dma_start3A_24 = arith.constant 0 : i32
      %dma_start3A_25 = tpu.memref_slice %arg3[%run_scoped3A_1, %add3A, %dma_start3A_23, %dma_start3A_24] : memref<2x32x79x128xi32, #tpu.memory_space<hbm>> -> memref<1x1x79x128xi32, #tpu.memory_space<hbm>>
      %dma_start3A_26 = tpu.memref_squeeze %dma_start3A_25 : memref<1x1x79x128xi32, #tpu.memory_space<hbm>> -> memref<79x128xi32, #tpu.memory_space<hbm>>
      tpu.enqueue_dma source(%dma_start3A_26 : memref<79x128xi32, #tpu.memory_space<hbm>>) target(%arg6 : memref<79x128xi32, #tpu.memory_space<vmem>>) target_semaphore(%run_scoped3A_19 : memref<!tpu.dma_semaphore, #tpu.memory_space<semaphore_mem>>)
      %dma_wait3A = arith.constant 0 : i32
      %dma_wait3A_27 = arith.constant 0 : i32
      %dma_wait3A_28 = tpu.memref_slice %arg3[%run_scoped3A_1, %add3A, %dma_wait3A, %dma_wait3A_27] : memref<2x32x79x128xi32, #tpu.memory_space<hbm>> -> memref<1x1x79x128xi32, #tpu.memory_space<hbm>>
      %dma_wait3A_29 = tpu.memref_squeeze %dma_wait3A_28 : memref<1x1x79x128xi32, #tpu.memory_space<hbm>> -> memref<79x128xi32, #tpu.memory_space<hbm>>
      %dma_wait3A_30 = arith.constant 0 : i32
      %dma_wait3A_31 = arith.constant 0 : i32
      %dma_wait3A_32 = tpu.memref_slice %arg3[%run_scoped3A_1, %add3A, %dma_wait3A_30, %dma_wait3A_31] : memref<2x32x79x128xi32, #tpu.memory_space<hbm>> -> memref<1x1x79x128xi32, #tpu.memory_space<hbm>>
      %dma_wait3A_33 = tpu.memref_squeeze %dma_wait3A_32 : memref<1x1x79x128xi32, #tpu.memory_space<hbm>> -> memref<79x128xi32, #tpu.memory_space<hbm>>
      tpu.wait_dma2 semaphore(%run_scoped3A_19 : memref<!tpu.dma_semaphore, #tpu.memory_space<semaphore_mem>>) src(%dma_wait3A_33 : memref<79x128xi32, #tpu.memory_space<hbm>>) dst(%arg6 : memref<79x128xi32, #tpu.memory_space<vmem>>)
      tpu.yield
    }) : () -> ()
    %eq3A = arith.constant 0 : i32
    %eq3A_2 = arith.cmpi eq, %arg0, %eq3A : i32
    %convert_element_type3A = arith.extui %eq3A_2 : i1 to i32
    %cond3A = arith.constant 0 : i32
    %cond3A_3 = arith.cmpi ne, %convert_element_type3A, %cond3A : i32
    scf.if %cond3A_3 {
      %mul3A_19 = arith.constant 640 : i32
      %mul3A_20 = arith.muli %arg1, %mul3A_19 : i32
      %mul3A_21 = arith.constant 640 : i32
      %mul3A_22 = arith.muli %arg1, %mul3A_21 : i32
      "tpu.region"() ({
        %run_scoped3A_23 = tpu.sem_alloc : memref<!tpu.dma_semaphore, #tpu.memory_space<semaphore_mem>>
        %dma_start3A = arith.constant 0 : i32
        %dma_start3A_24 = tpu.memref_slice %arg8[%mul3A_22, %dma_start3A] : memref<10240x128xf32, #tpu.memory_space<vmem_shared>> -> memref<640x128xf32, #tpu.memory_space<vmem_shared>>
        %dma_start3A_25 = arith.constant 0 : i32
        %dma_start3A_26 = tpu.memref_slice %arg2[%mul3A_20, %dma_start3A_25] : memref<10240x128xf32, #tpu.memory_space<hbm>> -> memref<640x128xf32, #tpu.memory_space<hbm>>
        tpu.enqueue_dma source(%dma_start3A_26 : memref<640x128xf32, #tpu.memory_space<hbm>>) target(%dma_start3A_24 : memref<640x128xf32, #tpu.memory_space<vmem_shared>>) target_semaphore(%run_scoped3A_23 : memref<!tpu.dma_semaphore, #tpu.memory_space<semaphore_mem>>)
        %dma_wait3A = arith.constant 0 : i32
        %dma_wait3A_27 = tpu.memref_slice %arg8[%mul3A_22, %dma_wait3A] : memref<10240x128xf32, #tpu.memory_space<vmem_shared>> -> memref<640x128xf32, #tpu.memory_space<vmem_shared>>
        %dma_wait3A_28 = arith.constant 0 : i32
        %dma_wait3A_29 = tpu.memref_slice %arg2[%mul3A_20, %dma_wait3A_28] : memref<10240x128xf32, #tpu.memory_space<hbm>> -> memref<640x128xf32, #tpu.memory_space<hbm>>
        tpu.wait_dma2 semaphore(%run_scoped3A_23 : memref<!tpu.dma_semaphore, #tpu.memory_space<semaphore_mem>>) src(%dma_wait3A_29 : memref<640x128xf32, #tpu.memory_space<hbm>>) dst(%dma_wait3A_27 : memref<640x128xf32, #tpu.memory_space<vmem_shared>>)
        tpu.yield
      }) : () -> ()
    } else {
    }
    %eq3A_4 = arith.constant 1 : i32
    %eq3A_5 = arith.cmpi eq, %arg0, %eq3A_4 : i32
    %convert_element_type3A_6 = arith.extui %eq3A_5 : i1 to i32
    %cond3A_7 = arith.constant 0 : i32
    %cond3A_8 = arith.cmpi ne, %convert_element_type3A_6, %cond3A_7 : i32
    scf.if %cond3A_8 {
      %broadcast_in_dim3A = arith.constant 0.000000e+00 : f32
      %broadcast_in_dim3A_19 = vector.broadcast %broadcast_in_dim3A : f32 to vector<16xf32>
      %scan3A_20 = arith.constant 0 : i32
      %scan3A_21 = arith.constant 0 : i32
      %scan3A_22 = arith.constant 128 : i32
      %scan3A_23 = arith.addi %scan3A_21, %scan3A_22 : i32
      %scan3A_24 = arith.constant 1 : i32
      scf.for %scan3A_46 = %scan3A_21 to %scan3A_23 step %scan3A_24  : i32 {
        %swap3A = arith.index_cast %scan3A_46 : i32 to index
        %swap3A_47 = arith.constant 0 : index
        %swap3A_48 = tpu.vector_load %arg7[%swap3A, %swap3A_47] {strides = array<i32>} : memref<128x128xf32, #tpu.memory_space<vmem>>, vector<1x16xf32>,
        %swap3A_49 = vector.shape_cast %swap3A_48 : vector<1x16xf32> to vector<16xf32>
        %swap3A_50 = vector.shape_cast %broadcast_in_dim3A_19 : vector<16xf32> to vector<1x16xf32>
        tpu.vector_store %arg7[%swap3A, %swap3A_47], %swap3A_50 {strides = array<i32>} : memref<128x128xf32, #tpu.memory_space<vmem>>, vector<1x16xf32>,
        %swap3A_51 = arith.index_cast %scan3A_46 : i32 to index
        %swap3A_52 = arith.constant 16 : index
        %swap3A_53 = tpu.vector_load %arg7[%swap3A_51, %swap3A_52] {strides = array<i32>} : memref<128x128xf32, #tpu.memory_space<vmem>>, vector<1x16xf32>,
        %swap3A_54 = vector.shape_cast %swap3A_53 : vector<1x16xf32> to vector<16xf32>
        %swap3A_55 = vector.shape_cast %broadcast_in_dim3A_19 : vector<16xf32> to vector<1x16xf32>
        tpu.vector_store %arg7[%swap3A_51, %swap3A_52], %swap3A_55 {strides = array<i32>} : memref<128x128xf32, #tpu.memory_space<vmem>>, vector<1x16xf32>,
        %swap3A_56 = arith.index_cast %scan3A_46 : i32 to index
        %swap3A_57 = arith.constant 32 : index
        %swap3A_58 = tpu.vector_load %arg7[%swap3A_56, %swap3A_57] {strides = array<i32>} : memref<128x128xf32, #tpu.memory_space<vmem>>, vector<1x16xf32>,
        %swap3A_59 = vector.shape_cast %swap3A_58 : vector<1x16xf32> to vector<16xf32>
        %swap3A_60 = vector.shape_cast %broadcast_in_dim3A_19 : vector<16xf32> to vector<1x16xf32>
        tpu.vector_store %arg7[%swap3A_56, %swap3A_57], %swap3A_60 {strides = array<i32>} : memref<128x128xf32, #tpu.memory_space<vmem>>, vector<1x16xf32>,
        %swap3A_61 = arith.index_cast %scan3A_46 : i32 to index
        %swap3A_62 = arith.constant 48 : index
        %swap3A_63 = tpu.vector_load %arg7[%swap3A_61, %swap3A_62] {strides = array<i32>} : memref<128x128xf32, #tpu.memory_space<vmem>>, vector<1x16xf32>,
        %swap3A_64 = vector.shape_cast %swap3A_63 : vector<1x16xf32> to vector<16xf32>
        %swap3A_65 = vector.shape_cast %broadcast_in_dim3A_19 : vector<16xf32> to vector<1x16xf32>
        tpu.vector_store %arg7[%swap3A_61, %swap3A_62], %swap3A_65 {strides = array<i32>} : memref<128x128xf32, #tpu.memory_space<vmem>>, vector<1x16xf32>,
        %swap3A_66 = arith.index_cast %scan3A_46 : i32 to index
        %swap3A_67 = arith.constant 64 : index
        %swap3A_68 = tpu.vector_load %arg7[%swap3A_66, %swap3A_67] {strides = array<i32>} : memref<128x128xf32, #tpu.memory_space<vmem>>, vector<1x16xf32>,
        %swap3A_69 = vector.shape_cast %swap3A_68 : vector<1x16xf32> to vector<16xf32>
        %swap3A_70 = vector.shape_cast %broadcast_in_dim3A_19 : vector<16xf32> to vector<1x16xf32>
        tpu.vector_store %arg7[%swap3A_66, %swap3A_67], %swap3A_70 {strides = array<i32>} : memref<128x128xf32, #tpu.memory_space<vmem>>, vector<1x16xf32>,
        %swap3A_71 = arith.index_cast %scan3A_46 : i32 to index
        %swap3A_72 = arith.constant 80 : index
        %swap3A_73 = tpu.vector_load %arg7[%swap3A_71, %swap3A_72] {strides = array<i32>} : memref<128x128xf32, #tpu.memory_space<vmem>>, vector<1x16xf32>,
        %swap3A_74 = vector.shape_cast %swap3A_73 : vector<1x16xf32> to vector<16xf32>
        %swap3A_75 = vector.shape_cast %broadcast_in_dim3A_19 : vector<16xf32> to vector<1x16xf32>
        tpu.vector_store %arg7[%swap3A_71, %swap3A_72], %swap3A_75 {strides = array<i32>} : memref<128x128xf32, #tpu.memory_space<vmem>>, vector<1x16xf32>,
        %swap3A_76 = arith.index_cast %scan3A_46 : i32 to index
        %swap3A_77 = arith.constant 96 : index
        %swap3A_78 = tpu.vector_load %arg7[%swap3A_76, %swap3A_77] {strides = array<i32>} : memref<128x128xf32, #tpu.memory_space<vmem>>, vector<1x16xf32>,
        %swap3A_79 = vector.shape_cast %swap3A_78 : vector<1x16xf32> to vector<16xf32>
        %swap3A_80 = vector.shape_cast %broadcast_in_dim3A_19 : vector<16xf32> to vector<1x16xf32>
        tpu.vector_store %arg7[%swap3A_76, %swap3A_77], %swap3A_80 {strides = array<i32>} : memref<128x128xf32, #tpu.memory_space<vmem>>, vector<1x16xf32>,
        %swap3A_81 = arith.index_cast %scan3A_46 : i32 to index
        %swap3A_82 = arith.constant 112 : index
        %swap3A_83 = tpu.vector_load %arg7[%swap3A_81, %swap3A_82] {strides = array<i32>} : memref<128x128xf32, #tpu.memory_space<vmem>>, vector<1x16xf32>,
        %swap3A_84 = vector.shape_cast %swap3A_83 : vector<1x16xf32> to vector<16xf32>
        %swap3A_85 = vector.shape_cast %broadcast_in_dim3A_19 : vector<16xf32> to vector<1x16xf32>
        tpu.vector_store %arg7[%swap3A_81, %swap3A_82], %swap3A_85 {strides = array<i32>} : memref<128x128xf32, #tpu.memory_space<vmem>>, vector<1x16xf32>,
      }
      %scan3A_25 = arith.constant 128 : i32
      %mul3A_26 = arith.constant 640 : i32
      %mul3A_27 = arith.muli %arg1, %mul3A_26 : i32
      %add3A_28 = arith.constant 0 : i32
      %add3A_29 = arith.addi %mul3A_27, %add3A_28 : i32
      "tpu.region"() ({
        %run_scoped3A_46 = tpu.sem_alloc : memref<!tpu.dma_semaphore, #tpu.memory_space<semaphore_mem>>
        %dma_start3A = arith.constant 0 : i32
        %dma_start3A_47 = tpu.memref_slice %arg8[%add3A_29, %dma_start3A] : memref<10240x128xf32, #tpu.memory_space<vmem_shared>> -> memref<128x128xf32, #tpu.memory_space<vmem_shared>>
        %dma_start3A_48 = arith.constant 0 : i32
        %dma_start3A_49 = tpu.memref_slice %arg8[%add3A_29, %dma_start3A_48] : memref<10240x128xf32, #tpu.memory_space<vmem_shared>> -> memref<128x128xf32, #tpu.memory_space<vmem_shared>>
        tpu.enqueue_dma source(%arg7 : memref<128x128xf32, #tpu.memory_space<vmem>>) target(%dma_start3A_49 : memref<128x128xf32, #tpu.memory_space<vmem_shared>>) target_semaphore(%run_scoped3A_46 : memref<!tpu.dma_semaphore, #tpu.memory_space<semaphore_mem>>)
        %dma_wait3A = arith.constant 0 : i32
        %dma_wait3A_50 = tpu.memref_slice %arg8[%add3A_29, %dma_wait3A] : memref<10240x128xf32, #tpu.memory_space<vmem_shared>> -> memref<128x128xf32, #tpu.memory_space<vmem_shared>>
        %dma_wait3A_51 = arith.constant 0 : i32
        %dma_wait3A_52 = tpu.memref_slice %arg8[%add3A_29, %dma_wait3A_51] : memref<10240x128xf32, #tpu.memory_space<vmem_shared>> -> memref<128x128xf32, #tpu.memory_space<vmem_shared>>
        tpu.wait_dma2 semaphore(%run_scoped3A_46 : memref<!tpu.dma_semaphore, #tpu.memory_space<semaphore_mem>>) src(%arg7 : memref<128x128xf32, #tpu.memory_space<vmem>>) dst(%dma_wait3A_52 : memref<128x128xf32, #tpu.memory_space<vmem_shared>>)
        tpu.yield
      }) : () -> ()
      %mul3A_30 = arith.constant 640 : i32
      %mul3A_31 = arith.muli %arg1, %mul3A_30 : i32
      %add3A_32 = arith.constant 128 : i32
      %add3A_33 = arith.addi %mul3A_31, %add3A_32 : i32
      "tpu.region"() ({
        %run_scoped3A_46 = tpu.sem_alloc : memref<!tpu.dma_semaphore, #tpu.memory_space<semaphore_mem>>
        %dma_start3A = arith.constant 0 : i32
        %dma_start3A_47 = tpu.memref_slice %arg8[%add3A_33, %dma_start3A] : memref<10240x128xf32, #tpu.memory_space<vmem_shared>> -> memref<128x128xf32, #tpu.memory_space<vmem_shared>>
        %dma_start3A_48 = arith.constant 0 : i32
        %dma_start3A_49 = tpu.memref_slice %arg8[%add3A_33, %dma_start3A_48] : memref<10240x128xf32, #tpu.memory_space<vmem_shared>> -> memref<128x128xf32, #tpu.memory_space<vmem_shared>>
        tpu.enqueue_dma source(%arg7 : memref<128x128xf32, #tpu.memory_space<vmem>>) target(%dma_start3A_49 : memref<128x128xf32, #tpu.memory_space<vmem_shared>>) target_semaphore(%run_scoped3A_46 : memref<!tpu.dma_semaphore, #tpu.memory_space<semaphore_mem>>)
        %dma_wait3A = arith.constant 0 : i32
        %dma_wait3A_50 = tpu.memref_slice %arg8[%add3A_33, %dma_wait3A] : memref<10240x128xf32, #tpu.memory_space<vmem_shared>> -> memref<128x128xf32, #tpu.memory_space<vmem_shared>>
        %dma_wait3A_51 = arith.constant 0 : i32
        %dma_wait3A_52 = tpu.memref_slice %arg8[%add3A_33, %dma_wait3A_51] : memref<10240x128xf32, #tpu.memory_space<vmem_shared>> -> memref<128x128xf32, #tpu.memory_space<vmem_shared>>
        tpu.wait_dma2 semaphore(%run_scoped3A_46 : memref<!tpu.dma_semaphore, #tpu.memory_space<semaphore_mem>>) src(%arg7 : memref<128x128xf32, #tpu.memory_space<vmem>>) dst(%dma_wait3A_52 : memref<128x128xf32, #tpu.memory_space<vmem_shared>>)
        tpu.yield
      }) : () -> ()
      %mul3A_34 = arith.constant 640 : i32
      %mul3A_35 = arith.muli %arg1, %mul3A_34 : i32
      %add3A_36 = arith.constant 256 : i32
      %add3A_37 = arith.addi %mul3A_35, %add3A_36 : i32
      "tpu.region"() ({
        %run_scoped3A_46 = tpu.sem_alloc : memref<!tpu.dma_semaphore, #tpu.memory_space<semaphore_mem>>
        %dma_start3A = arith.constant 0 : i32
        %dma_start3A_47 = tpu.memref_slice %arg8[%add3A_37, %dma_start3A] : memref<10240x128xf32, #tpu.memory_space<vmem_shared>> -> memref<128x128xf32, #tpu.memory_space<vmem_shared>>
        %dma_start3A_48 = arith.constant 0 : i32
        %dma_start3A_49 = tpu.memref_slice %arg8[%add3A_37, %dma_start3A_48] : memref<10240x128xf32, #tpu.memory_space<vmem_shared>> -> memref<128x128xf32, #tpu.memory_space<vmem_shared>>
        tpu.enqueue_dma source(%arg7 : memref<128x128xf32, #tpu.memory_space<vmem>>) target(%dma_start3A_49 : memref<128x128xf32, #tpu.memory_space<vmem_shared>>) target_semaphore(%run_scoped3A_46 : memref<!tpu.dma_semaphore, #tpu.memory_space<semaphore_mem>>)
        %dma_wait3A = arith.constant 0 : i32
        %dma_wait3A_50 = tpu.memref_slice %arg8[%add3A_37, %dma_wait3A] : memref<10240x128xf32, #tpu.memory_space<vmem_shared>> -> memref<128x128xf32, #tpu.memory_space<vmem_shared>>
        %dma_wait3A_51 = arith.constant 0 : i32
        %dma_wait3A_52 = tpu.memref_slice %arg8[%add3A_37, %dma_wait3A_51] : memref<10240x128xf32, #tpu.memory_space<vmem_shared>> -> memref<128x128xf32, #tpu.memory_space<vmem_shared>>
        tpu.wait_dma2 semaphore(%run_scoped3A_46 : memref<!tpu.dma_semaphore, #tpu.memory_space<semaphore_mem>>) src(%arg7 : memref<128x128xf32, #tpu.memory_space<vmem>>) dst(%dma_wait3A_52 : memref<128x128xf32, #tpu.memory_space<vmem_shared>>)
        tpu.yield
      }) : () -> ()
      %mul3A_38 = arith.constant 640 : i32
      %mul3A_39 = arith.muli %arg1, %mul3A_38 : i32
      %add3A_40 = arith.constant 384 : i32
      %add3A_41 = arith.addi %mul3A_39, %add3A_40 : i32
      "tpu.region"() ({
        %run_scoped3A_46 = tpu.sem_alloc : memref<!tpu.dma_semaphore, #tpu.memory_space<semaphore_mem>>
        %dma_start3A = arith.constant 0 : i32
        %dma_start3A_47 = tpu.memref_slice %arg8[%add3A_41, %dma_start3A] : memref<10240x128xf32, #tpu.memory_space<vmem_shared>> -> memref<128x128xf32, #tpu.memory_space<vmem_shared>>
        %dma_start3A_48 = arith.constant 0 : i32
        %dma_start3A_49 = tpu.memref_slice %arg8[%add3A_41, %dma_start3A_48] : memref<10240x128xf32, #tpu.memory_space<vmem_shared>> -> memref<128x128xf32, #tpu.memory_space<vmem_shared>>
        tpu.enqueue_dma source(%arg7 : memref<128x128xf32, #tpu.memory_space<vmem>>) target(%dma_start3A_49 : memref<128x128xf32, #tpu.memory_space<vmem_shared>>) target_semaphore(%run_scoped3A_46 : memref<!tpu.dma_semaphore, #tpu.memory_space<semaphore_mem>>)
        %dma_wait3A = arith.constant 0 : i32
        %dma_wait3A_50 = tpu.memref_slice %arg8[%add3A_41, %dma_wait3A] : memref<10240x128xf32, #tpu.memory_space<vmem_shared>> -> memref<128x128xf32, #tpu.memory_space<vmem_shared>>
        %dma_wait3A_51 = arith.constant 0 : i32
        %dma_wait3A_52 = tpu.memref_slice %arg8[%add3A_41, %dma_wait3A_51] : memref<10240x128xf32, #tpu.memory_space<vmem_shared>> -> memref<128x128xf32, #tpu.memory_space<vmem_shared>>
        tpu.wait_dma2 semaphore(%run_scoped3A_46 : memref<!tpu.dma_semaphore, #tpu.memory_space<semaphore_mem>>) src(%arg7 : memref<128x128xf32, #tpu.memory_space<vmem>>) dst(%dma_wait3A_52 : memref<128x128xf32, #tpu.memory_space<vmem_shared>>)
        tpu.yield
      }) : () -> ()
      %mul3A_42 = arith.constant 640 : i32
      %mul3A_43 = arith.muli %arg1, %mul3A_42 : i32
      %add3A_44 = arith.constant 512 : i32
      %add3A_45 = arith.addi %mul3A_43, %add3A_44 : i32
      "tpu.region"() ({
        %run_scoped3A_46 = tpu.sem_alloc : memref<!tpu.dma_semaphore, #tpu.memory_space<semaphore_mem>>
        %dma_start3A = arith.constant 0 : i32
        %dma_start3A_47 = tpu.memref_slice %arg8[%add3A_45, %dma_start3A] : memref<10240x128xf32, #tpu.memory_space<vmem_shared>> -> memref<128x128xf32, #tpu.memory_space<vmem_shared>>
        %dma_start3A_48 = arith.constant 0 : i32
        %dma_start3A_49 = tpu.memref_slice %arg8[%add3A_45, %dma_start3A_48] : memref<10240x128xf32, #tpu.memory_space<vmem_shared>> -> memref<128x128xf32, #tpu.memory_space<vmem_shared>>
        tpu.enqueue_dma source(%arg7 : memref<128x128xf32, #tpu.memory_space<vmem>>) target(%dma_start3A_49 : memref<128x128xf32, #tpu.memory_space<vmem_shared>>) target_semaphore(%run_scoped3A_46 : memref<!tpu.dma_semaphore, #tpu.memory_space<semaphore_mem>>)
        %dma_wait3A = arith.constant 0 : i32
        %dma_wait3A_50 = tpu.memref_slice %arg8[%add3A_45, %dma_wait3A] : memref<10240x128xf32, #tpu.memory_space<vmem_shared>> -> memref<128x128xf32, #tpu.memory_space<vmem_shared>>
        %dma_wait3A_51 = arith.constant 0 : i32
        %dma_wait3A_52 = tpu.memref_slice %arg8[%add3A_45, %dma_wait3A_51] : memref<10240x128xf32, #tpu.memory_space<vmem_shared>> -> memref<128x128xf32, #tpu.memory_space<vmem_shared>>
        tpu.wait_dma2 semaphore(%run_scoped3A_46 : memref<!tpu.dma_semaphore, #tpu.memory_space<semaphore_mem>>) src(%arg7 : memref<128x128xf32, #tpu.memory_space<vmem>>) dst(%dma_wait3A_52 : memref<128x128xf32, #tpu.memory_space<vmem_shared>>)
        tpu.yield
      }) : () -> ()
    } else {
    }
    %barrier3A = arith.constant 0 : index
    tpu.barrier barrier_id(%barrier3A)
    %scan3A = arith.constant 0 : i32
    %scan3A_9 = arith.constant 0 : i32
    %scan3A_10 = arith.constant 79 : i32
    %scan3A_11 = arith.addi %scan3A_9, %scan3A_10 : i32
    %scan3A_12 = arith.constant 1 : i32
    scf.for %scan3A_19 = %scan3A_9 to %scan3A_11 step %scan3A_12  : i32 {
      %dma_start3A = arith.constant 0 : i32
      %dma_start3A_20 = tpu.memref_slice %arg5[%scan3A_19, %dma_start3A] : memref<79x128xi32, #tpu.memory_space<vmem>> -> memref<1x128xi32, #tpu.memory_space<vmem>>
      %dma_start3A_21 = tpu.memref_squeeze %dma_start3A_20 : memref<1x128xi32, #tpu.memory_space<vmem>> -> memref<128xi32, #tpu.memory_space<vmem>>
      %dma_start3A_22 = arith.constant 0 : i32
      %dma_start3A_23 = arith.constant 0 : i32
      %dma_start3A_24 = tpu.memref_slice %arg2[%dma_start3A_22, %dma_start3A_23] : memref<10240x128xf32, #tpu.memory_space<hbm>> -> memref<10240x128xf32, #tpu.memory_space<hbm>>
      tpu.enqueue_indirect_dma source(%dma_start3A_24 : memref<10240x128xf32, #tpu.memory_space<hbm>>) target(%arg7 : memref<128x128xf32, #tpu.memory_space<vmem>>) offsets(%dma_start3A_21 : memref<128xi32, #tpu.memory_space<vmem>>) semaphore(%arg9 : memref<!tpu.dma_semaphore, #tpu.memory_space<semaphore_mem>>)
      %dma_wait3A = arith.constant 0 : i32
      %dma_wait3A_25 = tpu.memref_slice %arg5[%scan3A_19, %dma_wait3A] : memref<79x128xi32, #tpu.memory_space<vmem>> -> memref<1x128xi32, #tpu.memory_space<vmem>>
      %dma_wait3A_26 = tpu.memref_squeeze %dma_wait3A_25 : memref<1x128xi32, #tpu.memory_space<vmem>> -> memref<128xi32, #tpu.memory_space<vmem>>
      %dma_wait3A_27 = arith.constant 0 : i32
      %dma_wait3A_28 = arith.constant 0 : i32
      %dma_wait3A_29 = tpu.memref_slice %arg2[%dma_wait3A_27, %dma_wait3A_28] : memref<10240x128xf32, #tpu.memory_space<hbm>> -> memref<10240x128xf32, #tpu.memory_space<hbm>>
      tpu.wait_indirect_dma semaphore(%arg9 : memref<!tpu.dma_semaphore, #tpu.memory_space<semaphore_mem>>) src(%dma_wait3A_29 : memref<10240x128xf32, #tpu.memory_space<hbm>>) dst(%arg7 : memref<128x128xf32, #tpu.memory_space<vmem>>)
      "tpu.region"() ({
        %run_scoped3A_30 = tpu.sem_alloc : memref<!tpu.dma_semaphore, #tpu.memory_space<semaphore_mem>>
        %dma_start3A_31 = arith.constant 0 : i32
        %dma_start3A_32 = tpu.memref_slice %arg6[%scan3A_19, %dma_start3A_31] : memref<79x128xi32, #tpu.memory_space<vmem>> -> memref<1x128xi32, #tpu.memory_space<vmem>>
        %dma_start3A_33 = tpu.memref_squeeze %dma_start3A_32 : memref<1x128xi32, #tpu.memory_space<vmem>> -> memref<128xi32, #tpu.memory_space<vmem>>
        %dma_start3A_34 = arith.constant 0 : i32
        %dma_start3A_35 = arith.constant 0 : i32
        %dma_start3A_36 = tpu.memref_slice %arg8[%dma_start3A_34, %dma_start3A_35] : memref<10240x128xf32, #tpu.memory_space<vmem_shared>> -> memref<10240x128xf32, #tpu.memory_space<vmem_shared>>
        tpu.enqueue_indirect_dma source(%arg7 : memref<128x128xf32, #tpu.memory_space<vmem>>) target(%dma_start3A_36 : memref<10240x128xf32, #tpu.memory_space<vmem_shared>>) offsets(%dma_start3A_33 : memref<128xi32, #tpu.memory_space<vmem>>) semaphore(%run_scoped3A_30 : memref<!tpu.dma_semaphore, #tpu.memory_space<semaphore_mem>>) {add = true}
        %dma_wait3A_37 = arith.constant 0 : i32
        %dma_wait3A_38 = tpu.memref_slice %arg6[%scan3A_19, %dma_wait3A_37] : memref<79x128xi32, #tpu.memory_space<vmem>> -> memref<1x128xi32, #tpu.memory_space<vmem>>
        %dma_wait3A_39 = tpu.memref_squeeze %dma_wait3A_38 : memref<1x128xi32, #tpu.memory_space<vmem>> -> memref<128xi32, #tpu.memory_space<vmem>>
        %dma_wait3A_40 = arith.constant 0 : i32
        %dma_wait3A_41 = arith.constant 0 : i32
        %dma_wait3A_42 = tpu.memref_slice %arg8[%dma_wait3A_40, %dma_wait3A_41] : memref<10240x128xf32, #tpu.memory_space<vmem_shared>> -> memref<10240x128xf32, #tpu.memory_space<vmem_shared>>
        tpu.wait_indirect_dma semaphore(%run_scoped3A_30 : memref<!tpu.dma_semaphore, #tpu.memory_space<semaphore_mem>>) src(%arg7 : memref<128x128xf32, #tpu.memory_space<vmem>>) dst(%dma_wait3A_42 : memref<10240x128xf32, #tpu.memory_space<vmem_shared>>)
        tpu.yield
      }) : () -> ()
    }
    %scan3A_13 = arith.constant 79 : i32
    %barrier3A_14 = arith.constant 0 : index
    tpu.barrier barrier_id(%barrier3A_14)
    %mul3A_15 = arith.constant 640 : i32
    %mul3A_16 = arith.muli %arg1, %mul3A_15 : i32
    %mul3A_17 = arith.constant 640 : i32
    %mul3A_18 = arith.muli %arg1, %mul3A_17 : i32
    "tpu.region"() ({
      %run_scoped3A_19 = tpu.sem_alloc : memref<!tpu.dma_semaphore, #tpu.memory_space<semaphore_mem>>
      %dma_start3A = arith.constant 0 : i32
      %dma_start3A_20 = tpu.memref_slice %arg4[%arg0, %mul3A_18, %dma_start3A] : memref<2x10240x128xf32, #tpu.memory_space<hbm>> -> memref<1x640x128xf32, #tpu.memory_space<hbm>>
      %dma_start3A_21 = tpu.memref_squeeze %dma_start3A_20 : memref<1x640x128xf32, #tpu.memory_space<hbm>> -> memref<640x128xf32, #tpu.memory_space<hbm>>
      %dma_start3A_22 = arith.constant 0 : i32
      %dma_start3A_23 = tpu.memref_slice %arg8[%mul3A_16, %dma_start3A_22] : memref<10240x128xf32, #tpu.memory_space<vmem_shared>> -> memref<640x128xf32, #tpu.memory_space<vmem_shared>>
      tpu.enqueue_dma source(%dma_start3A_23 : memref<640x128xf32, #tpu.memory_space<vmem_shared>>) target(%dma_start3A_21 : memref<640x128xf32, #tpu.memory_space<hbm>>) target_semaphore(%run_scoped3A_19 : memref<!tpu.dma_semaphore, #tpu.memory_space<semaphore_mem>>)
      %dma_wait3A = arith.constant 0 : i32
      %dma_wait3A_24 = tpu.memref_slice %arg4[%arg0, %mul3A_18, %dma_wait3A] : memref<2x10240x128xf32, #tpu.memory_space<hbm>> -> memref<1x640x128xf32, #tpu.memory_space<hbm>>
      %dma_wait3A_25 = tpu.memref_squeeze %dma_wait3A_24 : memref<1x640x128xf32, #tpu.memory_space<hbm>> -> memref<640x128xf32, #tpu.memory_space<hbm>>
      %dma_wait3A_26 = arith.constant 0 : i32
      %dma_wait3A_27 = tpu.memref_slice %arg8[%mul3A_16, %dma_wait3A_26] : memref<10240x128xf32, #tpu.memory_space<vmem_shared>> -> memref<640x128xf32, #tpu.memory_space<vmem_shared>>
      tpu.wait_dma2 semaphore(%run_scoped3A_19 : memref<!tpu.dma_semaphore, #tpu.memory_space<semaphore_mem>>) src(%dma_wait3A_27 : memref<640x128xf32, #tpu.memory_space<vmem_shared>>) dst(%dma_wait3A_25 : memref<640x128xf32, #tpu.memory_space<hbm>>)
      tpu.yield
    }) : () -> ()
    return
  }
}

#map = affine_map<(d0, d1) -> (0, 0, 0, 0)>
#map1 = affine_map<(d0, d1) -> (0, 0)>
module attributes {stable_mosaic.version = 14 : i64} {
  func.func @deg_kernel(%arg0: i32, %arg1: i32, %arg2: memref<2x32x79x128xi32, #tpu.memory_space<hbm>>, %arg3: memref<2x10240xf32, #tpu.memory_space<hbm>>, %arg4: memref<79x128xi32, #tpu.memory_space<vmem>>, %arg5: memref<640xf32, #tpu.memory_space<vmem>>, %arg6: memref<10240xf32, #tpu.memory_space<vmem_shared>>) attributes {dimension_semantics = [#tpu.dimension_semantics<core_parallel>, #tpu.dimension_semantics<subcore_parallel>], iteration_bounds = array<i64: 2, 16>, scalar_prefetch = 0 : i64, scratch_operands = 3 : i64, tpu.core_type = #tpu.core_type<sc_vector_subcore>, window_params = [{transform_indices = #map}, {transform_indices = #map1}]} {
    %mul3A = arith.constant 16 : i32
    %mul3A_0 = arith.muli %arg0, %mul3A : i32
    %add3A = arith.addi %mul3A_0, %arg1 : i32
    %run_scoped3A = arith.constant 1 : i32
    "tpu.region"() ({
      %run_scoped3A_28 = tpu.sem_alloc : memref<!tpu.dma_semaphore, #tpu.memory_space<semaphore_mem>>
      %dma_start3A = arith.constant 0 : i32
      %dma_start3A_29 = arith.constant 0 : i32
      %dma_start3A_30 = tpu.memref_slice %arg2[%run_scoped3A, %add3A, %dma_start3A, %dma_start3A_29] : memref<2x32x79x128xi32, #tpu.memory_space<hbm>> -> memref<1x1x79x128xi32, #tpu.memory_space<hbm>>
      %dma_start3A_31 = tpu.memref_squeeze %dma_start3A_30 : memref<1x1x79x128xi32, #tpu.memory_space<hbm>> -> memref<79x128xi32, #tpu.memory_space<hbm>>
      %dma_start3A_32 = arith.constant 0 : i32
      %dma_start3A_33 = arith.constant 0 : i32
      %dma_start3A_34 = tpu.memref_slice %arg2[%run_scoped3A, %add3A, %dma_start3A_32, %dma_start3A_33] : memref<2x32x79x128xi32, #tpu.memory_space<hbm>> -> memref<1x1x79x128xi32, #tpu.memory_space<hbm>>
      %dma_start3A_35 = tpu.memref_squeeze %dma_start3A_34 : memref<1x1x79x128xi32, #tpu.memory_space<hbm>> -> memref<79x128xi32, #tpu.memory_space<hbm>>
      tpu.enqueue_dma source(%dma_start3A_35 : memref<79x128xi32, #tpu.memory_space<hbm>>) target(%arg4 : memref<79x128xi32, #tpu.memory_space<vmem>>) target_semaphore(%run_scoped3A_28 : memref<!tpu.dma_semaphore, #tpu.memory_space<semaphore_mem>>)
      %dma_wait3A = arith.constant 0 : i32
      %dma_wait3A_36 = arith.constant 0 : i32
      %dma_wait3A_37 = tpu.memref_slice %arg2[%run_scoped3A, %add3A, %dma_wait3A, %dma_wait3A_36] : memref<2x32x79x128xi32, #tpu.memory_space<hbm>> -> memref<1x1x79x128xi32, #tpu.memory_space<hbm>>
      %dma_wait3A_38 = tpu.memref_squeeze %dma_wait3A_37 : memref<1x1x79x128xi32, #tpu.memory_space<hbm>> -> memref<79x128xi32, #tpu.memory_space<hbm>>
      %dma_wait3A_39 = arith.constant 0 : i32
      %dma_wait3A_40 = arith.constant 0 : i32
      %dma_wait3A_41 = tpu.memref_slice %arg2[%run_scoped3A, %add3A, %dma_wait3A_39, %dma_wait3A_40] : memref<2x32x79x128xi32, #tpu.memory_space<hbm>> -> memref<1x1x79x128xi32, #tpu.memory_space<hbm>>
      %dma_wait3A_42 = tpu.memref_squeeze %dma_wait3A_41 : memref<1x1x79x128xi32, #tpu.memory_space<hbm>> -> memref<79x128xi32, #tpu.memory_space<hbm>>
      tpu.wait_dma2 semaphore(%run_scoped3A_28 : memref<!tpu.dma_semaphore, #tpu.memory_space<semaphore_mem>>) src(%dma_wait3A_42 : memref<79x128xi32, #tpu.memory_space<hbm>>) dst(%arg4 : memref<79x128xi32, #tpu.memory_space<vmem>>)
      tpu.yield
    }) : () -> ()
    %broadcast_in_dim3A = arith.constant 0.000000e+00 : f32
    %broadcast_in_dim3A_1 = vector.broadcast %broadcast_in_dim3A : f32 to vector<16xf32>
    %scan3A = arith.constant 0 : i32
    %scan3A_2 = arith.constant 0 : i32
    %scan3A_3 = arith.constant 40 : i32
    %scan3A_4 = arith.addi %scan3A_2, %scan3A_3 : i32
    %scan3A_5 = arith.constant 1 : i32
    scf.for %scan3A_28 = %scan3A_2 to %scan3A_4 step %scan3A_5  : i32 {
      %mul3A_29 = arith.constant 16 : i32
      %mul3A_30 = arith.muli %scan3A_28, %mul3A_29 : i32
      %swap3A = arith.index_cast %mul3A_30 : i32 to index
      %swap3A_31 = tpu.vector_load %arg5[%swap3A] {strides = array<i32>} : memref<640xf32, #tpu.memory_space<vmem>>, vector<16xf32>,
      %swap3A_32 = vector.shape_cast %swap3A_31 : vector<16xf32> to vector<16xf32>
      %swap3A_33 = vector.shape_cast %broadcast_in_dim3A_1 : vector<16xf32> to vector<16xf32>
      tpu.vector_store %arg5[%swap3A], %swap3A_33 {strides = array<i32>} : memref<640xf32, #tpu.memory_space<vmem>>, vector<16xf32>,
    }
    %scan3A_6 = arith.constant 40 : i32
    %mul3A_7 = arith.constant 640 : i32
    %mul3A_8 = arith.muli %arg1, %mul3A_7 : i32
    "tpu.region"() ({
      %run_scoped3A_28 = tpu.sem_alloc : memref<!tpu.dma_semaphore, #tpu.memory_space<semaphore_mem>>
      %dma_start3A = tpu.memref_slice %arg6[%mul3A_8] : memref<10240xf32, #tpu.memory_space<vmem_shared>> -> memref<640xf32, #tpu.memory_space<vmem_shared>>
      %dma_start3A_29 = tpu.memref_slice %arg6[%mul3A_8] : memref<10240xf32, #tpu.memory_space<vmem_shared>> -> memref<640xf32, #tpu.memory_space<vmem_shared>>
      tpu.enqueue_dma source(%arg5 : memref<640xf32, #tpu.memory_space<vmem>>) target(%dma_start3A_29 : memref<640xf32, #tpu.memory_space<vmem_shared>>) target_semaphore(%run_scoped3A_28 : memref<!tpu.dma_semaphore, #tpu.memory_space<semaphore_mem>>)
      %dma_wait3A = tpu.memref_slice %arg6[%mul3A_8] : memref<10240xf32, #tpu.memory_space<vmem_shared>> -> memref<640xf32, #tpu.memory_space<vmem_shared>>
      %dma_wait3A_30 = tpu.memref_slice %arg6[%mul3A_8] : memref<10240xf32, #tpu.memory_space<vmem_shared>> -> memref<640xf32, #tpu.memory_space<vmem_shared>>
      tpu.wait_dma2 semaphore(%run_scoped3A_28 : memref<!tpu.dma_semaphore, #tpu.memory_space<semaphore_mem>>) src(%arg5 : memref<640xf32, #tpu.memory_space<vmem>>) dst(%dma_wait3A_30 : memref<640xf32, #tpu.memory_space<vmem_shared>>)
      tpu.yield
    }) : () -> ()
    %barrier3A = arith.constant 0 : index
    tpu.barrier barrier_id(%barrier3A)
    %broadcast_in_dim3A_9 = arith.constant 1.000000e+00 : f32
    %broadcast_in_dim3A_10 = vector.broadcast %broadcast_in_dim3A_9 : f32 to vector<16xf32>
    %scan3A_11 = arith.constant 0 : i32
    %scan3A_12 = arith.constant 0 : i32
    %scan3A_13 = arith.constant 8 : i32
    %scan3A_14 = arith.addi %scan3A_12, %scan3A_13 : i32
    %scan3A_15 = arith.constant 1 : i32
    scf.for %scan3A_28 = %scan3A_12 to %scan3A_14 step %scan3A_15  : i32 {
      %mul3A_29 = arith.constant 16 : i32
      %mul3A_30 = arith.muli %scan3A_28, %mul3A_29 : i32
      %swap3A = arith.index_cast %mul3A_30 : i32 to index
      %swap3A_31 = tpu.vector_load %arg5[%swap3A] {strides = array<i32>} : memref<640xf32, #tpu.memory_space<vmem>>, vector<16xf32>,
      %swap3A_32 = vector.shape_cast %swap3A_31 : vector<16xf32> to vector<16xf32>
      %swap3A_33 = vector.shape_cast %broadcast_in_dim3A_10 : vector<16xf32> to vector<16xf32>
      tpu.vector_store %arg5[%swap3A], %swap3A_33 {strides = array<i32>} : memref<640xf32, #tpu.memory_space<vmem>>, vector<16xf32>,
    }
    %scan3A_16 = arith.constant 8 : i32
    %scan3A_17 = arith.constant 0 : i32
    %scan3A_18 = arith.constant 0 : i32
    %scan3A_19 = arith.constant 79 : i32
    %scan3A_20 = arith.addi %scan3A_18, %scan3A_19 : i32
    %scan3A_21 = arith.constant 1 : i32
    scf.for %scan3A_28 = %scan3A_18 to %scan3A_20 step %scan3A_21  : i32 {
      "tpu.region"() ({
        %run_scoped3A_29 = tpu.sem_alloc : memref<!tpu.dma_semaphore, #tpu.memory_space<semaphore_mem>>
        %dma_start3A = arith.constant 0 : i32
        %dma_start3A_30 = tpu.memref_slice %arg5[%dma_start3A] : memref<640xf32, #tpu.memory_space<vmem>> -> memref<128xf32, #tpu.memory_space<vmem>>
        %dma_start3A_31 = arith.constant 0 : i32
        %dma_start3A_32 = tpu.memref_slice %arg4[%scan3A_28, %dma_start3A_31] : memref<79x128xi32, #tpu.memory_space<vmem>> -> memref<1x128xi32, #tpu.memory_space<vmem>>
        %dma_start3A_33 = tpu.memref_squeeze %dma_start3A_32 : memref<1x128xi32, #tpu.memory_space<vmem>> -> memref<128xi32, #tpu.memory_space<vmem>>
        %dma_start3A_34 = arith.constant 0 : i32
        %dma_start3A_35 = tpu.memref_slice %arg6[%dma_start3A_34] : memref<10240xf32, #tpu.memory_space<vmem_shared>> -> memref<10240xf32, #tpu.memory_space<vmem_shared>>
        tpu.enqueue_indirect_dma source(%dma_start3A_30 : memref<128xf32, #tpu.memory_space<vmem>>) target(%dma_start3A_35 : memref<10240xf32, #tpu.memory_space<vmem_shared>>) offsets(%dma_start3A_33 : memref<128xi32, #tpu.memory_space<vmem>>) semaphore(%run_scoped3A_29 : memref<!tpu.dma_semaphore, #tpu.memory_space<semaphore_mem>>) {add = true}
        %dma_wait3A = arith.constant 0 : i32
        %dma_wait3A_36 = tpu.memref_slice %arg5[%dma_wait3A] : memref<640xf32, #tpu.memory_space<vmem>> -> memref<128xf32, #tpu.memory_space<vmem>>
        %dma_wait3A_37 = arith.constant 0 : i32
        %dma_wait3A_38 = tpu.memref_slice %arg4[%scan3A_28, %dma_wait3A_37] : memref<79x128xi32, #tpu.memory_space<vmem>> -> memref<1x128xi32, #tpu.memory_space<vmem>>
        %dma_wait3A_39 = tpu.memref_squeeze %dma_wait3A_38 : memref<1x128xi32, #tpu.memory_space<vmem>> -> memref<128xi32, #tpu.memory_space<vmem>>
        %dma_wait3A_40 = arith.constant 0 : i32
        %dma_wait3A_41 = tpu.memref_slice %arg6[%dma_wait3A_40] : memref<10240xf32, #tpu.memory_space<vmem_shared>> -> memref<10240xf32, #tpu.memory_space<vmem_shared>>
        tpu.wait_indirect_dma semaphore(%run_scoped3A_29 : memref<!tpu.dma_semaphore, #tpu.memory_space<semaphore_mem>>) src(%dma_wait3A_36 : memref<128xf32, #tpu.memory_space<vmem>>) dst(%dma_wait3A_41 : memref<10240xf32, #tpu.memory_space<vmem_shared>>)
        tpu.yield
      }) : () -> ()
    }
    %scan3A_22 = arith.constant 79 : i32
    %barrier3A_23 = arith.constant 0 : index
    tpu.barrier barrier_id(%barrier3A_23)
    %mul3A_24 = arith.constant 640 : i32
    %mul3A_25 = arith.muli %arg1, %mul3A_24 : i32
    %mul3A_26 = arith.constant 640 : i32
    %mul3A_27 = arith.muli %arg1, %mul3A_26 : i32
    "tpu.region"() ({
      %run_scoped3A_28 = tpu.sem_alloc : memref<!tpu.dma_semaphore, #tpu.memory_space<semaphore_mem>>
      %dma_start3A = tpu.memref_slice %arg3[%arg0, %mul3A_27] : memref<2x10240xf32, #tpu.memory_space<hbm>> -> memref<1x640xf32, #tpu.memory_space<hbm>>
      %dma_start3A_29 = tpu.memref_squeeze %dma_start3A : memref<1x640xf32, #tpu.memory_space<hbm>> -> memref<640xf32, #tpu.memory_space<hbm>>
      %dma_start3A_30 = tpu.memref_slice %arg6[%mul3A_25] : memref<10240xf32, #tpu.memory_space<vmem_shared>> -> memref<640xf32, #tpu.memory_space<vmem_shared>>
      tpu.enqueue_dma source(%dma_start3A_30 : memref<640xf32, #tpu.memory_space<vmem_shared>>) target(%dma_start3A_29 : memref<640xf32, #tpu.memory_space<hbm>>) target_semaphore(%run_scoped3A_28 : memref<!tpu.dma_semaphore, #tpu.memory_space<semaphore_mem>>)
      %dma_wait3A = tpu.memref_slice %arg3[%arg0, %mul3A_27] : memref<2x10240xf32, #tpu.memory_space<hbm>> -> memref<1x640xf32, #tpu.memory_space<hbm>>
      %dma_wait3A_31 = tpu.memref_squeeze %dma_wait3A : memref<1x640xf32, #tpu.memory_space<hbm>> -> memref<640xf32, #tpu.memory_space<hbm>>
      %dma_wait3A_32 = tpu.memref_slice %arg6[%mul3A_25] : memref<10240xf32, #tpu.memory_space<vmem_shared>> -> memref<640xf32, #tpu.memory_space<vmem_shared>>
      tpu.wait_dma2 semaphore(%run_scoped3A_28 : memref<!tpu.dma_semaphore, #tpu.memory_space<semaphore_mem>>) src(%dma_wait3A_32 : memref<640xf32, #tpu.memory_space<vmem_shared>>) dst(%dma_wait3A_31 : memref<640xf32, #tpu.memory_space<hbm>>)
      tpu.yield
    }) : () -> ()
    return
  }
}

module attributes {stable_mosaic.version = 14 : i64} {
  func.func @_mm_body(%arg0: i32, %arg1: memref<2048x128xf32, #tpu.memory_space<vmem>>, %arg2: memref<128x128xf32, #tpu.memory_space<vmem>>, %arg3: memref<2x1x1x2048xf32, #tpu.memory_space<vmem>>, %arg4: memref<2048x128xf32, #tpu.memory_space<vmem>>) attributes {dimension_semantics = [#tpu.dimension_semantics<arbitrary>], iteration_bounds = array<i64: 5>, scalar_prefetch = 0 : i64, scratch_operands = 0 : i64, tpu.core_type = #tpu.core_type<tc>, window_params = [{transform_indices = @transform_0, window_bounds = array<i64: 2048, 128>}, {pipeline_mode = #tpu.pipeline_mode<synchronous>, transform_indices = @transform_1, window_bounds = array<i64: 128, 128>}, {transform_indices = @transform_2, window_bounds = array<i64: 2, 1, 1, 2048>}, {transform_indices = @transform_3, window_bounds = array<i64: 2048, 128>}]} {
    %get3A = arith.constant 0 : index
    %get3A_0 = arith.constant 0 : index
    %get3A_1 = arith.constant 0 : index
    %get3A_2 = arith.constant 0 : index
    %get3A_3 = vector.load %arg3[%get3A, %get3A_0, %get3A_1, %get3A_2] : memref<2x1x1x2048xf32, #tpu.memory_space<vmem>>, vector<1x1x1x2048xf32>
    %get3A_4 = vector.shape_cast %get3A_3 : vector<1x1x1x2048xf32> to vector<1x2048xf32>
    %get3A_5 = arith.constant 1 : index
    %get3A_6 = arith.constant 0 : index
    %get3A_7 = arith.constant 0 : index
    %get3A_8 = arith.constant 0 : index
    %get3A_9 = vector.load %arg3[%get3A_5, %get3A_6, %get3A_7, %get3A_8] : memref<2x1x1x2048xf32, #tpu.memory_space<vmem>>, vector<1x1x1x2048xf32>
    %get3A_10 = vector.shape_cast %get3A_9 : vector<1x1x1x2048xf32> to vector<1x2048xf32>
    %add3A = arith.addf %get3A_4, %get3A_10 : vector<1x2048xf32>
    %add3A_11 = arith.constant 1.000000e+00 : f32
    %add3A_12 = vector.broadcast %add3A_11 : f32 to vector<1x2048xf32>
    %add3A_13 = arith.addf %add3A, %add3A_12 : vector<1x2048xf32>
    %max3A = arith.constant 9.99999996E-13 : f32
    %max3A_14 = vector.broadcast %max3A : f32 to vector<1x2048xf32>
    %max3A_15 = arith.maximumf %add3A_13, %max3A_14 : vector<1x2048xf32>
    %rsqrt3A = math.rsqrt %max3A_15 : vector<1x2048xf32>
    %reshape3A = vector.shape_cast %rsqrt3A : vector<1x2048xf32> to vector<2048x1xf32>
    %get3A_16 = arith.constant 0 : index
    %get3A_17 = arith.constant 0 : index
    %get3A_18 = vector.load %arg1[%get3A_16, %get3A_17] : memref<2048x128xf32, #tpu.memory_space<vmem>>, vector<2048x128xf32>
    %get3A_19 = arith.constant 0 : index
    %get3A_20 = arith.constant 0 : index
    %get3A_21 = vector.load %arg2[%get3A_19, %get3A_20] : memref<128x128xf32, #tpu.memory_space<vmem>>, vector<128x128xf32>
    %dot_general3A = arith.constant dense<0.000000e+00> : vector<2048x128xf32>
    %dot_general3A_22 = tpu.matmul %get3A_18, %get3A_21, %dot_general3A {dimension_numbers = #tpu.dot_dimension_numbers<[1], [0], [0], [1], [0, 0, 1, 1], [], []>, transpose_lhs_hint = false} : vector<2048x128xf32>, vector<128x128xf32>, vector<2048x128xf32> -> vector<2048x128xf32>
    %mul3A = vector.broadcast %reshape3A : vector<2048x1xf32> to vector<2048x128xf32>
    %mul3A_23 = arith.mulf %dot_general3A_22, %mul3A : vector<2048x128xf32>
    %swap3A = arith.constant 0 : index
    %swap3A_24 = arith.constant 0 : index
    %swap3A_25 = vector.load %arg4[%swap3A, %swap3A_24] : memref<2048x128xf32, #tpu.memory_space<vmem>>, vector<2048x128xf32>
    tpu.vector_store %arg4[%swap3A, %swap3A_24], %mul3A_23 {strides = array<i32>} : memref<2048x128xf32, #tpu.memory_space<vmem>>, vector<2048x128xf32>,
    return
  }
  func.func @transform_0(%arg0: i32) -> (i32, i32) {
    %c0_i32 = arith.constant 0 : i32
    %c0_i32_0 = arith.constant 0 : i32
    return %arg0, %c0_i32 : i32, i32
  }
  func.func @transform_1(%arg0: i32) -> (i32, i32) {
    %c0_i32 = arith.constant 0 : i32
    %c0_i32_0 = arith.constant 0 : i32
    %c0_i32_1 = arith.constant 0 : i32
    return %c0_i32, %c0_i32_0 : i32, i32
  }
  func.func @transform_2(%arg0: i32) -> (i32, i32, i32, i32) {
    %c0_i32 = arith.constant 0 : i32
    %c0_i32_0 = arith.constant 0 : i32
    %c0_i32_1 = arith.constant 0 : i32
    %c0_i32_2 = arith.constant 0 : i32
    return %c0_i32, %arg0, %c0_i32_0, %c0_i32_1 : i32, i32, i32, i32
  }
  func.func @transform_3(%arg0: i32) -> (i32, i32) {
    %c0_i32 = arith.constant 0 : i32
    %c0_i32_0 = arith.constant 0 : i32
    return %arg0, %c0_i32 : i32, i32
  }
}

module attributes {stable_mosaic.version = 14 : i64} {
  func.func @_fin_body(%arg0: i32, %arg1: memref<2x2048x128xf32, #tpu.memory_space<vmem>>, %arg2: memref<2x1x1x2048xf32, #tpu.memory_space<vmem>>, %arg3: memref<1x128xf32, #tpu.memory_space<vmem>>, %arg4: memref<2048x128xf32, #tpu.memory_space<vmem>>) attributes {dimension_semantics = [#tpu.dimension_semantics<arbitrary>], iteration_bounds = array<i64: 5>, scalar_prefetch = 0 : i64, scratch_operands = 0 : i64, tpu.core_type = #tpu.core_type<tc>, window_params = [{transform_indices = @transform_0, window_bounds = array<i64: 2, 2048, 128>}, {transform_indices = @transform_1, window_bounds = array<i64: 2, 1, 1, 2048>}, {pipeline_mode = #tpu.pipeline_mode<synchronous>, transform_indices = @transform_2, window_bounds = array<i64: 1, 128>}, {transform_indices = @transform_3, window_bounds = array<i64: 2048, 128>}]} {
    %get3A = arith.constant 0 : index
    %get3A_0 = arith.constant 0 : index
    %get3A_1 = arith.constant 0 : index
    %get3A_2 = arith.constant 0 : index
    %get3A_3 = vector.load %arg2[%get3A, %get3A_0, %get3A_1, %get3A_2] : memref<2x1x1x2048xf32, #tpu.memory_space<vmem>>, vector<1x1x1x2048xf32>
    %get3A_4 = vector.shape_cast %get3A_3 : vector<1x1x1x2048xf32> to vector<1x2048xf32>
    %get3A_5 = arith.constant 1 : index
    %get3A_6 = arith.constant 0 : index
    %get3A_7 = arith.constant 0 : index
    %get3A_8 = arith.constant 0 : index
    %get3A_9 = vector.load %arg2[%get3A_5, %get3A_6, %get3A_7, %get3A_8] : memref<2x1x1x2048xf32, #tpu.memory_space<vmem>>, vector<1x1x1x2048xf32>
    %get3A_10 = vector.shape_cast %get3A_9 : vector<1x1x1x2048xf32> to vector<1x2048xf32>
    %add3A = arith.addf %get3A_4, %get3A_10 : vector<1x2048xf32>
    %add3A_11 = arith.constant 1.000000e+00 : f32
    %add3A_12 = vector.broadcast %add3A_11 : f32 to vector<1x2048xf32>
    %add3A_13 = arith.addf %add3A, %add3A_12 : vector<1x2048xf32>
    %max3A = arith.constant 9.99999996E-13 : f32
    %max3A_14 = vector.broadcast %max3A : f32 to vector<1x2048xf32>
    %max3A_15 = arith.maximumf %add3A_13, %max3A_14 : vector<1x2048xf32>
    %rsqrt3A = math.rsqrt %max3A_15 : vector<1x2048xf32>
    %reshape3A = vector.shape_cast %rsqrt3A : vector<1x2048xf32> to vector<2048x1xf32>
    %get3A_16 = arith.constant 0 : index
    %get3A_17 = arith.constant 0 : index
    %get3A_18 = arith.constant 0 : index
    %get3A_19 = vector.load %arg1[%get3A_16, %get3A_17, %get3A_18] : memref<2x2048x128xf32, #tpu.memory_space<vmem>>, vector<1x2048x128xf32>
    %get3A_20 = vector.shape_cast %get3A_19 : vector<1x2048x128xf32> to vector<2048x128xf32>
    %get3A_21 = arith.constant 1 : index
    %get3A_22 = arith.constant 0 : index
    %get3A_23 = arith.constant 0 : index
    %get3A_24 = vector.load %arg1[%get3A_21, %get3A_22, %get3A_23] : memref<2x2048x128xf32, #tpu.memory_space<vmem>>, vector<1x2048x128xf32>
    %get3A_25 = vector.shape_cast %get3A_24 : vector<1x2048x128xf32> to vector<2048x128xf32>
    %add3A_26 = arith.addf %get3A_20, %get3A_25 : vector<2048x128xf32>
    %mul3A = vector.broadcast %reshape3A : vector<2048x1xf32> to vector<2048x128xf32>
    %mul3A_27 = arith.mulf %add3A_26, %mul3A : vector<2048x128xf32>
    %get3A_28 = arith.constant 0 : index
    %get3A_29 = arith.constant 0 : index
    %get3A_30 = vector.load %arg3[%get3A_28, %get3A_29] : memref<1x128xf32, #tpu.memory_space<vmem>>, vector<1x128xf32>
    %add3A_31 = vector.broadcast %get3A_30 : vector<1x128xf32> to vector<2048x128xf32>
    %add3A_32 = arith.addf %mul3A_27, %add3A_31 : vector<2048x128xf32>
    %swap3A = arith.constant 0 : index
    %swap3A_33 = arith.constant 0 : index
    %swap3A_34 = vector.load %arg4[%swap3A, %swap3A_33] : memref<2048x128xf32, #tpu.memory_space<vmem>>, vector<2048x128xf32>
    tpu.vector_store %arg4[%swap3A, %swap3A_33], %add3A_32 {strides = array<i32>} : memref<2048x128xf32, #tpu.memory_space<vmem>>, vector<2048x128xf32>,
    return
  }
  func.func @transform_0(%arg0: i32) -> (i32, i32, i32) {
    %c0_i32 = arith.constant 0 : i32
    %c0_i32_0 = arith.constant 0 : i32
    %c0_i32_1 = arith.constant 0 : i32
    return %c0_i32, %arg0, %c0_i32_0 : i32, i32, i32
  }
  func.func @transform_1(%arg0: i32) -> (i32, i32, i32, i32) {
    %c0_i32 = arith.constant 0 : i32
    %c0_i32_0 = arith.constant 0 : i32
    %c0_i32_1 = arith.constant 0 : i32
    %c0_i32_2 = arith.constant 0 : i32
    return %c0_i32, %arg0, %c0_i32_0, %c0_i32_1 : i32, i32, i32, i32
  }
  func.func @transform_2(%arg0: i32) -> (i32, i32) {
    %c0_i32 = arith.constant 0 : i32
    %c0_i32_0 = arith.constant 0 : i32
    %c0_i32_1 = arith.constant 0 : i32
    return %c0_i32, %c0_i32_0 : i32, i32
  }
  func.func @transform_3(%arg0: i32) -> (i32, i32) {
    %c0_i32 = arith.constant 0 : i32
    %c0_i32_0 = arith.constant 0 : i32
    return %arg0, %c0_i32 : i32, i32
  }
}

</mosaic_0001>

<sc_bundles>
// kernel: kernel.6.cloned.1.call-start
scs
__scs_entry_jumppad:
0x0: {  	(pc) =	sbr.rel $0x88, $3  }
0x1: {  	(tag) =	ssettag $0x0;
	lr =	simm.s32 $0x1  }
0x2: {  	[smem:$0x3F9D] =	sst lr;
	_ =	strace $0xD0000000  }
0x3: {  	_ = 	snop  }
0x4: {  	_ = 	snop  }
0x5: {  	_ = 	snop  }
0x6: {  	_ = 	snop  }
0x7: {  	_ = 	snop  }
__scs_overlays_trampoline_lowered:
0x8: {  	[smem:$0x3FAC] =	sst s0  }
0x9: {  	[smem:$0x3FAD] =	sst s1  }
0xa: {  	[smem:$0x3FAE] =	sst s2  }
0xb: {  	[smem:$0x3FAF] =	sst s3  }
0xc: {  	[smem:$0x3FB0] =	sst s4  }
0xd: {  	[smem:$0x3FB1] =	sst s5  }
0xe: {  	[smem:$0x3FB2] =	sst s6  }
0xf: {  	[smem:$0x3FB3] =	sst s7  }
0x10: {  	[smem:$0x3FB4] =	sst s8  }
0x11: {  	[smem:$0x3FB5] =	sst s9;
	s0 =	simm.s32 @!p0 $0x0  }
0x12: {  	s1 =	sld [smem:$0x3F9B];
	s0 =	simm.s32 @p0 $0x1  }
0x13: {  	[smem:$0x3FB6] =	sst s0;
	s0 =	simm.s32 @!p1 $0x0  }
0x14: {  	s2 =	sld [smem:$0x3F9A];
	s0 =	simm.s32 @p1 $0x1  }
0x15: {  	[smem:$0x3FB7] =	sst s0;
	s0 =	simm.s32 @!p2 $0x0  }
0x16: {  	s3 =	sld [smem:$0x3FDB];
	s0 =	simm.s32 @p2 $0x1  }
0x17: {  	s4 =	simm.s32 $0x1BF5;
	[smem:$0x3FB9] =	sst s0  }
0x18: {  	s0 =	sld [smem:$0x3F9C];
	_ =	swait.ge [sflag:s4], $0x0  }
0x19: {  	s7 =	sld [smem:$0x3F9D]  }
0x1a: {  	s8 =	sadd.s32 $0xFFFFE003, lr  }
0x1b: {  	s9 =	sadd.s32 $0xFFFFFEF7, lr;
	s5 =	simm.s32 $0xFFFFFFFF;
	p2 =	slt.u32 s8, $0xFFFFF086  }
0x1c: {  	p1 =	slt.u32 s9, $0xF7A;
	s5 =	simm.s32 @!p2 $0x0  }
0x1d: {  	s5 =	simm.s32 @p1 $0x1;
	p0 =	seq.s32 s7, s2  }
0x1e: {  	s7 =	smul.u32 @!p0 $0xF7A, s2;
	p2 =	seq.s32 @!p0 s5, $0x0  }
0x1f: {  	s9 =	smul.u32 $0xF7A, s1;
	s8 =	simm.s32 @!p0 $0x1BF5;
	p2 =	por !p2, p0  }
0x20: {  	[sflag:s8] =	ssyncset.s32 @!p0 $0xFFFFF086;
	s6 =	sadd.s32 @!p0 s3, s7;
	s7 =	simm.s32 @!p0 $0x108  }
0x21: {  	s3 =	sadd.s32 s3, s9;
	s6 =	sadd.s32 @!p0 $0x88, s6;
	s7 =	simm.s32 @p2 $0x1082  }
0x22: {  	[simem:s7], [sflag:s8] =	dma.local @!p0 [hbm:s6], $0xF7A  }
0x23: {  	s9 =	sor.u32 $0xD0000000, s2;
	s6 =	simm.s32 $0x108;
	_ =	swait.ge @!p0 [sflag:s8], $0x0  }
0x24: {  	s3 =	sadd.s32 $0x88, s3;
	s6 =	simm.s32 @!p1 $0x1082;
	[sflag:s4] =	ssyncset.s32 $0xFFFFF086  }
0x25: {  	[simem:s6], [sflag:s4] =	dma.local [hbm:s3], $0xF7A  }
0x26: {  	[smem:$0x3F9D] =	sst s1;
	(tag) =	ssettag s2;
	_ =	strace s9  }
0x27: {  	s1 =	sld [smem:$0x3FAD]  }
0x28: {  	s2 =	sld [smem:$0x3FAE]  }
0x29: {  	s4 =	sld [smem:$0x3FB0]  }
0x2a: {  	p0 =	seq.s32 s5, $0x0;
	s5 =	sld [smem:$0x3FB1]  }
0x2b: {  	s6 =	sld [smem:$0x3FB2]  }
0x2c: {  	s7 =	sld [smem:$0x3FB3]  }
0x2d: {  	s3 =	simm.s32 $0x108;
	s8 =	sld [smem:$0x3FB4]  }
0x2e: {  	s3 =	simm.s32 @!p0 $0x1082;
	s9 =	sld [smem:$0x3FB5]  }
0x2f: {  	lr =	sadd.s32 s0, s3;
	s0 =	sld [smem:$0x3FAC]  }
0x30: {  	s3 =	sld [smem:$0x3FAF]  }
0x31: {  	[smem:$0x3FB8] =	sst s10  }
0x32: {  	s10 =	sld [smem:$0x3FB6];
	_ =	sdelay $0x3  }
0x33: {  	p0 =	seq.s32 s10, $0x1;
	s10 =	sld [smem:$0x3FB8];
	_ =	sdelay $0x3  }
0x34: {  	[smem:$0x3FB8] =	sst s10  }
0x35: {  	s10 =	sld [smem:$0x3FB7];
	_ =	sdelay $0x3  }
0x36: {  	p1 =	seq.s32 s10, $0x1;
	s10 =	sld [smem:$0x3FB8];
	_ =	sdelay $0x3  }
0x37: {  	[smem:$0x3FB8] =	sst s10  }
0x38: {  	s10 =	sld [smem:$0x3FB9]  }
0x39: {  	_ = 	snop;
	(pc) =	sbr.ind lr, $3  }
0x3a: {  	_ = 	snop  }
0x3b: {  	_ = 	snop  }
0x3c: {  	p2 =	seq.s32 s10, $0x1;
	s10 =	sld [smem:$0x3FB8]  }
0x3d: {  	_ =	shalt  }
0x3e: {  	_ =	shalt  }
0x3f: {  	_ =	shalt  }
0x40: {  	_ =	shalt  }
0x41: {  	_ =	shalt  }
0x42: {  	_ =	shalt  }
0x43: {  	_ =	shalt  }
0x44: {  	_ =	shalt  }
0x45: {  	_ =	shalt  }
0x46: {  	_ =	shalt  }
0x47: {  	_ =	shalt  }
0x48: {  	_ =	shalt  }
0x49: {  	_ =	shalt  }
0x4a: {  	_ =	shalt  }
0x4b: {  	_ =	shalt  }
0x4c: {  	_ =	shalt  }
0x4d: {  	_ =	shalt  }
0x4e: {  	_ =	shalt  }
0x4f: {  	_ =	shalt  }
0x50: {  	_ =	shalt  }
0x51: {  	_ =	shalt  }
0x52: {  	_ =	shalt  }
0x53: {  	_ =	shalt  }
0x54: {  	_ =	shalt  }
0x55: {  	_ =	shalt  }
0x56: {  	_ =	shalt  }
0x57: {  	_ =	shalt  }
0x58: {  	_ =	shalt  }
0x59: {  	_ =	shalt  }
0x5a: {  	_ =	shalt  }
0x5b: {  	_ =	shalt  }
0x5c: {  	_ =	shalt  }
0x5d: {  	_ =	shalt  }
0x5e: {  	_ =	shalt  }
0x5f: {  	_ =	shalt  }
0x60: {  	_ =	shalt  }
0x61: {  	_ =	shalt  }
0x62: {  	_ =	shalt  }
0x63: {  	_ =	shalt  }
0x64: {  	_ =	shalt  }
0x65: {  	_ =	shalt  }
0x66: {  	_ =	shalt  }
0x67: {  	_ =	shalt  }
0x68: {  	_ =	shalt  }
0x69: {  	_ =	shalt  }
0x6a: {  	_ =	shalt  }
0x6b: {  	_ =	shalt  }
0x6c: {  	_ =	shalt  }
0x6d: {  	_ =	shalt  }
0x6e: {  	_ =	shalt  }
0x6f: {  	_ =	shalt  }
0x70: {  	_ =	shalt  }
0x71: {  	_ =	shalt  }
0x72: {  	_ =	shalt  }
0x73: {  	_ =	shalt  }
0x74: {  	_ =	shalt  }
0x75: {  	_ =	shalt  }
0x76: {  	_ =	shalt  }
0x77: {  	_ =	shalt  }
0x78: {  	_ =	shalt  }
0x79: {  	_ =	shalt  }
0x7a: {  	_ =	shalt  }
0x7b: {  	_ =	shalt  }
0x7c: {  	_ =	shalt  }
0x7d: {  	_ =	shalt  }
0x7e: {  	_ =	shalt  }
0x7f: {  	_ =	shalt  }
0x80: {  	_ =	shalt  }
0x81: {  	_ =	shalt  }
0x82: {  	_ =	shalt  }
0x83: {  	_ =	shalt  }
0x84: {  	_ =	shalt  }
0x85: {  	_ =	shalt  }
0x86: {  	_ =	shalt  }
0x87: {  	_ =	shalt  }
.Lfunc_end0:
.L_simem_size_0:
called_computation_lowered:
.L_overlay_start_0:
0x88: {  	s2 =	sld [smem:$0x3FD9]  }
0x89: {  	s3 =	sld [smem:$0x3FFE];
	_ =	sdelay $0x1  }
0x8a: {  	s1 =	srdreg.scid  }
0x8b: {  	s0 =	sand.u32 $0x1, s1  }
0x8c: {  	s17 =	sshll.u32 s0, $0xA;
	s2 =	sadd.s32 s3, s2  }
0x8d: {  	s2 =	sadd.s32 s2, s17  }
0x8e: {  	[smem:$0x3FC4] =	sst s2  }
0x8f: {  	_ = 	snop  }
0x90: {  	s2 =	sld [smem:$0x3FD0];
	(tm) =	ssettm $0x1  }
0x91: {  	s18 =	sld [smem:$0x3FFB];
	_ =	sdelay $0x3  }
0x92: {  	_ =	strace s18  }
0x93: {  	s3 =	sld [smem:$0x3FFC];
	_ =	sdelay $0x3  }
0x94: {  	_ =	strace s3  }
0x95: {  	s3 =	sld [smem:$0x3FFD];
	_ =	sdelay $0x3  }
0x96: {  	_ =	strace s3  }
0x97: {  	_ =	strace $0x8FFFFFFF  }
0x98: {  	s19 =	sld [smem:$0x3FDB];
	_ =	sdelay $0x1  }
0x99: {  	s4 =	simm.s32 $_scs_section_size  }
0x9a: {  	s5 =	simm.s32 $_size__tile_overlayer_lowered;
	s6 =	simm.s32 $_tile_overlayer_lowered  }
0x9b: {  	s22 =	simm.s32 $0x1BFF;
	s21 =	sshll.u32 s6, $0x1;
	s3 =	sadd.s32 s4, s19  }
0x9c: {  	s7 =	simm.s32 $0x0;
	s20 =	sshll.u32 s5, $0x1;
	s5 =	sadd.s32 s21, s3  }
0x9d: {  	[timem:s7], [sflag:s22] =	dma.local [hbm:s5], s20  }
0x9e: {  	_ =	swait.ge [sflag:s22], s20  }
0x9f: {  	s4 =	ssub.s32 $0x0, s20;
	[sflag:s22] =	ssyncset.done $0x0  }
0xa0: {  	[sflag:s22] =	ssyncadd.s32 s4;
	_ =	sdelay $0x1  }
0xa1: {  	s23 =	simm.s32 $0x1B8B  }
0xa2: {  	_ =	swait.ge [sflag:s23], $0x1  }
0xa3: {  	[sflag:s23] =	ssyncset.done $0x0  }
0xa4: {  	s25 =	simm.s32 $0x1B8E;
	s24 =	sld [smem:$0x3FFE];
	[sflag:s23] =	ssyncadd.s32 $0xFFFFFFFF  }
0xa5: {  	s26 =	simm.s32 $execute0_lowered;
	[smem:$0x3FD2] =	sst s25  }
0xa6: {  	s5 =	sshll.u32 s26, $0x1;
	_ =	strace $0x80000046;
	[dreg:$0x1] =	wrdreg $0xFFFFFFFF  }
0xa7: {  	s28 =	simm.s32 $_size_execute0_lowered;
	s3 =	sadd.s32 s3, s5;
	[dreg:$0x0] =	wrdreg $0x0  }
0xa8: {  	s5 =	sshll.u32 s28, $0x1;
	[dreg:$0x2] =	wrdreg s3  }
0xa9: {  	[dreg:$0x3] =	wrdreg s5  }
0xaa: {  	[dreg:$0x4] =	wrdreg $0xC0  }
0xab: {  	_ =	task [dreg:s7], $0x5FFFF  }
0xac: {  	[dreg:$0x1] =	wrdreg $0xFFFFFFFF  }
0xad: {  	[dreg:$0x0] =	wrdreg $0x60  }
0xae: {  	[dreg:$0x2] =	wrdreg s2  }
0xaf: {  	[dreg:$0x3] =	wrdreg s24  }
0xb0: {  	[dreg:$0x4] =	wrdreg $0x2A800  }
0xb1: {  	[dreg:$0x5] =	wrdreg $0x9  }
0xb2: {  	_ =	task.clear_ibuf [dreg:s7], $0x6FFFF;
	_ =	strace $0x90000046  }
0xb3: {  	s29 =	simm.s32 $0x9;
	_ =	strace $0x80000048  }
0xb4: {  	_ =	swait.ge [sflag:s29], $0x1  }
0xb5: {  	[sflag:s29] =	ssyncadd.s32 $0xFFFFFFFF  }
0xb6: {  	_ =	strace $0x90000048  }
0xb7: {  	_ =	sfence  }
0xb8: {  	s30 =	sld [smem:$0x0];
	_ =	sdelay $0x2  }
0xb9: {  	s31 =	sshll.u32 s1, $0xD;
	s1 =	sshrl.u32 s1, $0x2  }
0xba: {  	s3 =	sand.u32 $0x4000, s31;
	s1 =	sadd.s32 s1, s30  }
0xbb: {  	s0 =	sor.u32 s3, s0;
	s1 =	sshll.u32 s1, $0x11  }
0xbc: {  	s0 =	sor.u32 s1, s0  }
0xbd: {  	s0 =	sadd.s32 $0x8F2B, s0  }
0xbe: {  	[sflag:s0] =	ssyncadd.remote.s32 $0x1  }
0xbf: {  	_ =	sfence.sel $0xFFFF  }
0xc0: {  	[dreg:$0x0] =	wrdreg $0xFFFFFFFF;
	(pc) =	sbr.abs _section_cstart, $3  }
0xc1: {  	[dreg:$0x1] =	wrdreg $0xFFFFFFFF  }
0xc2: {  	_ =	task.clear_ibuf [dreg:s7], $0x2FFFF;
	_ =	strace $0x9FFFFFFF  }
0xc3: {  	(tm) =	ssettm $0x7FFFFFFF  }
tec
execute0_lowered:
.L_overlay_start_1:
0x0: {  	(tag) =	ssettag $0x1  }
0x1: {  	s4 =	rddreg [dreg:$0x0]  }
0x2: {  	s5 =	rddreg [dreg:$0x1];
	s0 =	srdreg.scid  }
0x3: {  	s2 =	rddreg [dreg:$0x2];
	s1 =	stileid.u32  }
0x4: {  	s3 =	simm.s32 $0x0;
	s10 =	simm.s32 $0x80;
	s13 =	simm.s32 $0x20  }
0x5: {  	s14 =	simm.s32 $0x10;
	s6 =	sand.u32 $0x1, s0;
	s0 =	rddreg [dreg:$0x3]  }
0x6: {  	s15 =	simm.s32 $0x0;
	s7 =	smul.u32 $0x500, s1;
	[smem:$0x7FF] =	sst s3  }
0x7: {  	s28 =	smul.u32 $0xA00, s1;
	s11 =	sshll.u32 s1, $0x6;
	s8 =	sshll.u32 s6, $0x4  }
0x8: {  	s9 =	sshll.u32 s6, $0x7;
	_ =	strace $0x80000047;
	s6 =	ssub.s32 $0x2, s6  }
0x9: {  	s11 =	sor.u32 $0x1C01, s11;
	s8 =	sor.u32 s1, s8;
	s7 =	sor.u32 s9, s7  }
0xa: {  	s29 =	sshrl.u32 s6, $0x1;
	s31 =	sshrl.u32 s28, $0x2;
	s8 =	smul.u32 $0x2800, s8  }
0xb: {  	s9 =	simm.s32 $0x2800;
	s7 =	sshrl.u32 s7, $0x3;
	s30 =	ssub.s32 s6, s29  }
0xc: {  	s7 =	sadd.s32 s7, s5;
	s5 =	sadd.s32 s31, s2;
	s8 =	sshrl.u32 s8, $0x3  }
0xd: {  	s6 =	sadd.s32 $0x1800, s7;
	s7 =	smax.u32 s30, $0x1;
	s4 =	sadd.s32 s4, s8  }
0xe: {  	v0 =	vimm.f32 $0.0e+00;
	v1 =	vimm.f32 $1.000000000e+00;
	s12 =	sshrl.u32 s5, $0x3;
	s8 =	simm.s32 $0x1;
	s4 =	sadd.s32 $0xA000, s4  }
.LBB2_1:
0xf: {  	[tilespmem:s3], [sflag:$0x1] =	stream.linear.gather [hbm4b:s4+s3], $0x2780, $0x38;
	[tilespmem:$0x2D00] =	vst v63  }
0x10: {  	_ =	swait.ge [sflag:s8], $0x2780  }
0x11: {  	[sflag:s8] =	ssyncset.done $0x0  }
0x12: {  	[sflag:s8] =	ssyncadd.s32 $0xFFFFD880  }
0x13: {  	[tilespmem:$0x2800] =	vst v0  }
0x14: {  	[tilespmem:$0x2810] =	vst v0  }
0x15: {  	[tilespmem:$0x2820] =	vst v0  }
0x16: {  	[tilespmem:$0x2830] =	vst v0  }
0x17: {  	[tilespmem:$0x2840] =	vst v0  }
0x18: {  	[tilespmem:$0x2850] =	vst v0  }
0x19: {  	[tilespmem:$0x2860] =	vst v0  }
0x1a: {  	[tilespmem:$0x2870] =	vst v0  }
0x1b: {  	[tilespmem:$0x2880] =	vst v0  }
0x1c: {  	[tilespmem:$0x2890] =	vst v0  }
0x1d: {  	[tilespmem:$0x28A0] =	vst v0  }
0x1e: {  	[tilespmem:$0x28B0] =	vst v0  }
0x1f: {  	[tilespmem:$0x28C0] =	vst v0  }
0x20: {  	[tilespmem:$0x28D0] =	vst v0  }
0x21: {  	[tilespmem:$0x28E0] =	vst v0  }
0x22: {  	[tilespmem:$0x28F0] =	vst v0  }
0x23: {  	[tilespmem:$0x2900] =	vst v0  }
0x24: {  	[tilespmem:$0x2910] =	vst v0  }
0x25: {  	[tilespmem:$0x2920] =	vst v0  }
0x26: {  	[tilespmem:$0x2930] =	vst v0  }
0x27: {  	[tilespmem:$0x2940] =	vst v0  }
0x28: {  	[tilespmem:$0x2950] =	vst v0  }
0x29: {  	[tilespmem:$0x2960] =	vst v0  }
0x2a: {  	[tilespmem:$0x2970] =	vst v0  }
0x2b: {  	[tilespmem:$0x2980] =	vst v0  }
0x2c: {  	[tilespmem:$0x2990] =	vst v0  }
0x2d: {  	[tilespmem:$0x29A0] =	vst v0  }
0x2e: {  	[tilespmem:$0x29B0] =	vst v0  }
0x2f: {  	[tilespmem:$0x29C0] =	vst v0  }
0x30: {  	[tilespmem:$0x29D0] =	vst v0  }
0x31: {  	[tilespmem:$0x29E0] =	vst v0  }
0x32: {  	[tilespmem:$0x29F0] =	vst v0  }
0x33: {  	[tilespmem:$0x2A00] =	vst v0  }
0x34: {  	[tilespmem:$0x2A10] =	vst v0  }
0x35: {  	[tilespmem:$0x2A20] =	vst v0  }
0x36: {  	[tilespmem:$0x2A30] =	vst v0  }
0x37: {  	[tilespmem:$0x2A40] =	vst v0  }
0x38: {  	[tilespmem:$0x2A50] =	vst v0  }
0x39: {  	[tilespmem:$0x2A60] =	vst v0  }
0x3a: {  	[tilespmem:$0x2A70] =	vst v0  }
0x3b: {  	[spmem:s5] =	stream.linear.scatter [tilespmem:s9], [sflag:$0x1], $0x280, $0x38;
	[tilespmem:$0x2D00] =	vst v63  }
0x3c: {  	_ =	swait.ge [sflag:s8], $0x280  }
0x3d: {  	[sflag:s8] =	ssyncset.done $0x0  }
0x3e: {  	[sflag:s8] =	ssyncadd.s32 $0xFFFFFD80  }
0x3f: {  	[bflag:$0x0] =	sbarrier.arrive $0xFFFF  }
0x40: {  	[tilespmem:$0x2800] =	vst v1  }
0x41: {  	[tilespmem:$0x2810] =	vst v1  }
0x42: {  	[tilespmem:$0x2820] =	vst v1  }
0x43: {  	[tilespmem:$0x2830] =	vst v1  }
0x44: {  	[tilespmem:$0x2840] =	vst v1  }
0x45: {  	[tilespmem:$0x2850] =	vst v1  }
0x46: {  	[tilespmem:$0x2860] =	vst v1  }
0x47: {  	s16 =	simm.s32 $0x0;
	[tilespmem:$0x2870] =	vst v1  }
0x48: {  	[spmem:s2] =	stream.indirect.scatter.add.f32 [tilespmem:s9], [sflag:$0x1], $0x1, s16, s10, $0xb8;
	[tilespmem:$0x2D00] =	vst v63  }
0x49: {  	_ =	swait.ge [sflag:s8], $0x80  }
0x4a: {  	s16 =	simm.s32 $0x200;
	[sflag:s8] =	ssyncset.done $0x0  }
.LBB2_2:
0x4b: {  	s17 =	sshra.s32 s16, $0x2;
	[sflag:s8] =	ssyncadd.s32 $0xFFFFFF80;
	p0 =	sne.s32 s16, $0x9C00  }
0x4c: {  	[spmem:s2] =	stream.indirect.scatter.add.f32 [tilespmem:s9], [sflag:$0x1], $0x1, s17, s10, $0xb8;
	[tilespmem:$0x2D00] =	vst v63  }
.Ltmp0:
0x4d: {  	_ = 	snop;
	(pc) =	sbr.rel @p0 .LBB2_2-.Ltmp0, $4  }
0x4e: {  	_ = 	snop  }
0x4f: {  	s16 =	sadd.s32 $0x200, s16  }
0x50: {  	_ =	swait.ge [sflag:s8], $0x80  }
0x51: {  	[sflag:s8] =	ssyncset.done $0x0  }
0x52: {  	s15 =	sadd.s32 $0x1, s15  }
0x53: {  	[sflag:s8] =	ssyncadd.s32 $0xFFFFFF80;
	p0 =	sne.s32 s15, s7  }
.Ltmp1:
0x54: {  	[bflag:$0x0] =	sbarrier.arrive $0xFFFF;
	(pc) =	sbr.rel @p0 .LBB2_1-.Ltmp1, $4  }
0x55: {  	[hbm:s6@s13], [sflag:s11] =	dma.strided [spmem:s12@s14], $0x50, s8, $0x10   }
0x56: {  	_ =	swait.ge [sflag:s8], $0x50  }
0x57: {  	[sflag:s8] =	ssyncset.done $0x0  }
0x58: {  	[sflag:s8] =	ssyncadd.s32 $0xFFFFFFB0  }
0x59: {  	_ =	sfence.sel $0x180000  }
0x5a: {  	[bflag:$0x0] =	sbarrier.arrive $0xFFFF  }
0x5b: {  	p0 =	sne.s32 s1, $0x0;
	_ =	strace $0x90000047  }
0x5c: {  	s0 =	sadd.s32 @!p0 $0x100000, s0;
	[bflag:$0x2] =	sbarrier.arrive $0xFFFF  }
0x5d: {  	[sflag:s0] =	ssyncadd.tile.s32 @!p0 $0x1;
	_ =	shalt  }
.Lfunc_end2:
_tile_overlayer_lowered:
.L_overlay_start_2:
0x5e: {  	(tag) =	ssettag $0x2  }
0x5f: {  	s0 =	rddreg [dreg:$0x0];
	s2 =	stileid.u32  }
0x60: {  	s1 =	rddreg [dreg:$0x1];
	p0 =	sne.s32 s2, $0x0  }
0x61: {  	s3 =	rddreg [dreg:$0x2];
	[bflag:$0x3] =	sbarrier.arrive $0xFFFF;
	s2 =	simm.s32 @!p0 $0x1C01  }
0x62: {  	[timem:s3], [sflag:s2] =	dma.local @!p0 [hbm:s0], s1  }
0x63: {  	s0 =	simm.s32 @!p0 $0x1  }
0x64: {  	_ =	swait.ge @!p0 [sflag:s0], s1  }
0x65: {  	s1 =	ssub.s32 @!p0 $0x0, s1;
	[sflag:s0] =	ssyncset.done @!p0 $0x0  }
0x66: {  	[sflag:s0] =	ssyncadd.s32 @!p0 s1  }
0x67: {  	[bflag:$0x3] =	sbarrier.arrive $0xFFFF  }
0x68: {  	_ =	shalt  }

// kernel: kernel.9.cloned.1.call-start
scs
__scs_entry_jumppad:
0x0: {  	(pc) =	sbr.rel $0x88, $3  }
0x1: {  	(tag) =	ssettag $0x0;
	lr =	simm.s32 $0x1  }
0x2: {  	[smem:$0x3F9D] =	sst lr;
	_ =	strace $0xD0000000  }
0x3: {  	_ = 	snop  }
0x4: {  	_ = 	snop  }
0x5: {  	_ = 	snop  }
0x6: {  	_ = 	snop  }
0x7: {  	_ = 	snop  }
__scs_overlays_trampoline_lowered:
0x8: {  	[smem:$0x3FAC] =	sst s0  }
0x9: {  	[smem:$0x3FAD] =	sst s1  }
0xa: {  	[smem:$0x3FAE] =	sst s2  }
0xb: {  	[smem:$0x3FAF] =	sst s3  }
0xc: {  	[smem:$0x3FB0] =	sst s4  }
0xd: {  	[smem:$0x3FB1] =	sst s5  }
0xe: {  	[smem:$0x3FB2] =	sst s6  }
0xf: {  	[smem:$0x3FB3] =	sst s7  }
0x10: {  	[smem:$0x3FB4] =	sst s8  }
0x11: {  	[smem:$0x3FB5] =	sst s9;
	s0 =	simm.s32 @!p0 $0x0  }
0x12: {  	s1 =	sld [smem:$0x3F9B];
	s0 =	simm.s32 @p0 $0x1  }
0x13: {  	[smem:$0x3FB6] =	sst s0;
	s0 =	simm.s32 @!p1 $0x0  }
0x14: {  	s2 =	sld [smem:$0x3F9A];
	s0 =	simm.s32 @p1 $0x1  }
0x15: {  	[smem:$0x3FB7] =	sst s0;
	s0 =	simm.s32 @!p2 $0x0  }
0x16: {  	s3 =	sld [smem:$0x3FDB];
	s0 =	simm.s32 @p2 $0x1  }
0x17: {  	s4 =	simm.s32 $0x1BF5;
	[smem:$0x3FB9] =	sst s0  }
0x18: {  	s0 =	sld [smem:$0x3F9C];
	_ =	swait.ge [sflag:s4], $0x0  }
0x19: {  	s7 =	sld [smem:$0x3F9D]  }
0x1a: {  	s8 =	sadd.s32 $0xFFFFE003, lr  }
0x1b: {  	s9 =	sadd.s32 $0xFFFFFEF7, lr;
	s5 =	simm.s32 $0xFFFFFFFF;
	p2 =	slt.u32 s8, $0xFFFFF086  }
0x1c: {  	p1 =	slt.u32 s9, $0xF7A;
	s5 =	simm.s32 @!p2 $0x0  }
0x1d: {  	s5 =	simm.s32 @p1 $0x1;
	p0 =	seq.s32 s7, s2  }
0x1e: {  	s7 =	smul.u32 @!p0 $0xF7A, s2;
	p2 =	seq.s32 @!p0 s5, $0x0  }
0x1f: {  	s9 =	smul.u32 $0xF7A, s1;
	s8 =	simm.s32 @!p0 $0x1BF5;
	p2 =	por !p2, p0  }
0x20: {  	[sflag:s8] =	ssyncset.s32 @!p0 $0xFFFFF086;
	s6 =	sadd.s32 @!p0 s3, s7;
	s7 =	simm.s32 @!p0 $0x108  }
0x21: {  	s3 =	sadd.s32 s3, s9;
	s6 =	sadd.s32 @!p0 $0x88, s6;
	s7 =	simm.s32 @p2 $0x1082  }
0x22: {  	[simem:s7], [sflag:s8] =	dma.local @!p0 [hbm:s6], $0xF7A  }
0x23: {  	s9 =	sor.u32 $0xD0000000, s2;
	s6 =	simm.s32 $0x108;
	_ =	swait.ge @!p0 [sflag:s8], $0x0  }
0x24: {  	s3 =	sadd.s32 $0x88, s3;
	s6 =	simm.s32 @!p1 $0x1082;
	[sflag:s4] =	ssyncset.s32 $0xFFFFF086  }
0x25: {  	[simem:s6], [sflag:s4] =	dma.local [hbm:s3], $0xF7A  }
0x26: {  	[smem:$0x3F9D] =	sst s1;
	(tag) =	ssettag s2;
	_ =	strace s9  }
0x27: {  	s1 =	sld [smem:$0x3FAD]  }
0x28: {  	s2 =	sld [smem:$0x3FAE]  }
0x29: {  	s4 =	sld [smem:$0x3FB0]  }
0x2a: {  	p0 =	seq.s32 s5, $0x0;
	s5 =	sld [smem:$0x3FB1]  }
0x2b: {  	s6 =	sld [smem:$0x3FB2]  }
0x2c: {  	s7 =	sld [smem:$0x3FB3]  }
0x2d: {  	s3 =	simm.s32 $0x108;
	s8 =	sld [smem:$0x3FB4]  }
0x2e: {  	s3 =	simm.s32 @!p0 $0x1082;
	s9 =	sld [smem:$0x3FB5]  }
0x2f: {  	lr =	sadd.s32 s0, s3;
	s0 =	sld [smem:$0x3FAC]  }
0x30: {  	s3 =	sld [smem:$0x3FAF]  }
0x31: {  	[smem:$0x3FB8] =	sst s10  }
0x32: {  	s10 =	sld [smem:$0x3FB6];
	_ =	sdelay $0x3  }
0x33: {  	p0 =	seq.s32 s10, $0x1;
	s10 =	sld [smem:$0x3FB8];
	_ =	sdelay $0x3  }
0x34: {  	[smem:$0x3FB8] =	sst s10  }
0x35: {  	s10 =	sld [smem:$0x3FB7];
	_ =	sdelay $0x3  }
0x36: {  	p1 =	seq.s32 s10, $0x1;
	s10 =	sld [smem:$0x3FB8];
	_ =	sdelay $0x3  }
0x37: {  	[smem:$0x3FB8] =	sst s10  }
0x38: {  	s10 =	sld [smem:$0x3FB9]  }
0x39: {  	_ = 	snop;
	(pc) =	sbr.ind lr, $3  }
0x3a: {  	_ = 	snop  }
0x3b: {  	_ = 	snop  }
0x3c: {  	p2 =	seq.s32 s10, $0x1;
	s10 =	sld [smem:$0x3FB8]  }
0x3d: {  	_ =	shalt  }
0x3e: {  	_ =	shalt  }
0x3f: {  	_ =	shalt  }
0x40: {  	_ =	shalt  }
0x41: {  	_ =	shalt  }
0x42: {  	_ =	shalt  }
0x43: {  	_ =	shalt  }
0x44: {  	_ =	shalt  }
0x45: {  	_ =	shalt  }
0x46: {  	_ =	shalt  }
0x47: {  	_ =	shalt  }
0x48: {  	_ =	shalt  }
0x49: {  	_ =	shalt  }
0x4a: {  	_ =	shalt  }
0x4b: {  	_ =	shalt  }
0x4c: {  	_ =	shalt  }
0x4d: {  	_ =	shalt  }
0x4e: {  	_ =	shalt  }
0x4f: {  	_ =	shalt  }
0x50: {  	_ =	shalt  }
0x51: {  	_ =	shalt  }
0x52: {  	_ =	shalt  }
0x53: {  	_ =	shalt  }
0x54: {  	_ =	shalt  }
0x55: {  	_ =	shalt  }
0x56: {  	_ =	shalt  }
0x57: {  	_ =	shalt  }
0x58: {  	_ =	shalt  }
0x59: {  	_ =	shalt  }
0x5a: {  	_ =	shalt  }
0x5b: {  	_ =	shalt  }
0x5c: {  	_ =	shalt  }
0x5d: {  	_ =	shalt  }
0x5e: {  	_ =	shalt  }
0x5f: {  	_ =	shalt  }
0x60: {  	_ =	shalt  }
0x61: {  	_ =	shalt  }
0x62: {  	_ =	shalt  }
0x63: {  	_ =	shalt  }
0x64: {  	_ =	shalt  }
0x65: {  	_ =	shalt  }
0x66: {  	_ =	shalt  }
0x67: {  	_ =	shalt  }
0x68: {  	_ =	shalt  }
0x69: {  	_ =	shalt  }
0x6a: {  	_ =	shalt  }
0x6b: {  	_ =	shalt  }
0x6c: {  	_ =	shalt  }
0x6d: {  	_ =	shalt  }
0x6e: {  	_ =	shalt  }
0x6f: {  	_ =	shalt  }
0x70: {  	_ =	shalt  }
0x71: {  	_ =	shalt  }
0x72: {  	_ =	shalt  }
0x73: {  	_ =	shalt  }
0x74: {  	_ =	shalt  }
0x75: {  	_ =	shalt  }
0x76: {  	_ =	shalt  }
0x77: {  	_ =	shalt  }
0x78: {  	_ =	shalt  }
0x79: {  	_ =	shalt  }
0x7a: {  	_ =	shalt  }
0x7b: {  	_ =	shalt  }
0x7c: {  	_ =	shalt  }
0x7d: {  	_ =	shalt  }
0x7e: {  	_ =	shalt  }
0x7f: {  	_ =	shalt  }
0x80: {  	_ =	shalt  }
0x81: {  	_ =	shalt  }
0x82: {  	_ =	shalt  }
0x83: {  	_ =	shalt  }
0x84: {  	_ =	shalt  }
0x85: {  	_ =	shalt  }
0x86: {  	_ =	shalt  }
0x87: {  	_ =	shalt  }
.Lfunc_end0:
.L_simem_size_0:
called_computation.1_lowered:
.L_overlay_start_0:
0x88: {  	s2 =	sld [smem:$0x3FD9]  }
0x89: {  	s3 =	sld [smem:$0x3FFE];
	_ =	sdelay $0x1  }
0x8a: {  	s1 =	srdreg.scid  }
0x8b: {  	s0 =	sand.u32 $0x1, s1  }
0x8c: {  	s17 =	sshll.u32 s0, $0xA;
	s2 =	sadd.s32 s3, s2  }
0x8d: {  	s2 =	sadd.s32 s2, s17  }
0x8e: {  	[smem:$0x3FC4] =	sst s2  }
0x8f: {  	_ = 	snop  }
0x90: {  	s2 =	sld [smem:$0x3FD0];
	(tm) =	ssettm $0x1  }
0x91: {  	s18 =	sld [smem:$0x3FFB];
	_ =	sdelay $0x3  }
0x92: {  	_ =	strace s18  }
0x93: {  	s3 =	sld [smem:$0x3FFC];
	_ =	sdelay $0x3  }
0x94: {  	_ =	strace s3  }
0x95: {  	s3 =	sld [smem:$0x3FFD];
	_ =	sdelay $0x3  }
0x96: {  	_ =	strace s3  }
0x97: {  	_ =	strace $0x8FFFFFFF  }
0x98: {  	s19 =	sld [smem:$0x3FDB];
	_ =	sdelay $0x1  }
0x99: {  	s4 =	simm.s32 $_scs_section_size  }
0x9a: {  	s5 =	simm.s32 $_size__tile_overlayer_lowered;
	s6 =	simm.s32 $_tile_overlayer_lowered  }
0x9b: {  	s22 =	simm.s32 $0x1BFF;
	s21 =	sshll.u32 s6, $0x1;
	s3 =	sadd.s32 s4, s19  }
0x9c: {  	s7 =	simm.s32 $0x0;
	s20 =	sshll.u32 s5, $0x1;
	s5 =	sadd.s32 s21, s3  }
0x9d: {  	[timem:s7], [sflag:s22] =	dma.local [hbm:s5], s20  }
0x9e: {  	_ =	swait.ge [sflag:s22], s20  }
0x9f: {  	s4 =	ssub.s32 $0x0, s20;
	[sflag:s22] =	ssyncset.done $0x0  }
0xa0: {  	[sflag:s22] =	ssyncadd.s32 s4;
	_ =	sdelay $0x1  }
0xa1: {  	s23 =	simm.s32 $0x1B8B  }
0xa2: {  	_ =	swait.ge [sflag:s23], $0x1  }
0xa3: {  	[sflag:s23] =	ssyncset.done $0x0  }
0xa4: {  	s25 =	simm.s32 $0x1B8E;
	s24 =	sld [smem:$0x3FFE];
	[sflag:s23] =	ssyncadd.s32 $0xFFFFFFFF  }
0xa5: {  	s26 =	simm.s32 $execute0_lowered;
	[smem:$0x3FD2] =	sst s25  }
0xa6: {  	s5 =	sshll.u32 s26, $0x1;
	_ =	strace $0x80000049;
	[dreg:$0x1] =	wrdreg $0xFFFFFFFF  }
0xa7: {  	s28 =	simm.s32 $_size_execute0_lowered;
	s3 =	sadd.s32 s3, s5;
	[dreg:$0x0] =	wrdreg $0x0  }
0xa8: {  	s5 =	sshll.u32 s28, $0x1;
	[dreg:$0x2] =	wrdreg s3  }
0xa9: {  	[dreg:$0x3] =	wrdreg s5  }
0xaa: {  	[dreg:$0x4] =	wrdreg $0xC0  }
0xab: {  	_ =	task [dreg:s7], $0x5FFFF  }
0xac: {  	[dreg:$0x1] =	wrdreg $0xFFFFFFFF  }
0xad: {  	[dreg:$0x0] =	wrdreg $0x60  }
0xae: {  	[dreg:$0x2] =	wrdreg s24  }
0xaf: {  	[dreg:$0x3] =	wrdreg s2  }
0xb0: {  	[dreg:$0x4] =	wrdreg $0x90000  }
0xb1: {  	[dreg:$0x5] =	wrdreg $0x9  }
0xb2: {  	_ =	task.clear_ibuf [dreg:s7], $0x6FFFF;
	_ =	strace $0x90000049  }
0xb3: {  	s29 =	simm.s32 $0x9;
	_ =	strace $0x8000004B  }
0xb4: {  	_ =	swait.ge [sflag:s29], $0x1  }
0xb5: {  	[sflag:s29] =	ssyncadd.s32 $0xFFFFFFFF  }
0xb6: {  	_ =	strace $0x9000004B  }
0xb7: {  	_ =	sfence  }
0xb8: {  	s30 =	sld [smem:$0x0];
	_ =	sdelay $0x2  }
0xb9: {  	s31 =	sshll.u32 s1, $0xD;
	s1 =	sshrl.u32 s1, $0x2  }
0xba: {  	s3 =	sand.u32 $0x4000, s31;
	s1 =	sadd.s32 s1, s30  }
0xbb: {  	s0 =	sor.u32 s3, s0;
	s1 =	sshll.u32 s1, $0x11  }
0xbc: {  	s0 =	sor.u32 s1, s0  }
0xbd: {  	s0 =	sadd.s32 $0x8F2B, s0  }
0xbe: {  	[sflag:s0] =	ssyncadd.remote.s32 $0x1  }
0xbf: {  	_ =	sfence.sel $0xFFFF  }
0xc0: {  	[dreg:$0x0] =	wrdreg $0xFFFFFFFF;
	(pc) =	sbr.abs _section_cstart, $3  }
0xc1: {  	[dreg:$0x1] =	wrdreg $0xFFFFFFFF  }
0xc2: {  	_ =	task.clear_ibuf [dreg:s7], $0x2FFFF;
	_ =	strace $0x9FFFFFFF  }
0xc3: {  	(tm) =	ssettm $0x7FFFFFFF  }
tec
execute0_lowered:
.L_overlay_start_1:
0x0: {  	(tag) =	ssettag $0x1  }
0x1: {  	s5 =	rddreg [dreg:$0x0]  }
0x2: {  	s6 =	rddreg [dreg:$0x1]  }
0x3: {  	s0 =	srdreg.scid;
	s2 =	rddreg [dreg:$0x2]  }
0x4: {  	s1 =	rddreg [dreg:$0x3];
	s3 =	simm.s32 $0x0;
	s15 =	simm.s32 $0x2  }
0x5: {  	s16 =	simm.s32 $0x2800;
	s17 =	simm.s32 $0x5000;
	s7 =	sand.u32 $0x1, s0  }
0x6: {  	s18 =	simm.s32 $0x80;
	s0 =	stileid.u32;
	s4 =	smul.u32 $0x140000, s7  }
0x7: {  	s19 =	simm.s32 $0x1;
	s22 =	simm.s32 $0x0;
	s8 =	smul.u32 $0x14000, s0  }
0x8: {  	[smem:$0x7FF] =	sst s3;
	s9 =	sshll.u32 s7, $0x4;
	s31 =	smul.u32 $0x50000, s0  }
0x9: {  	_ =	strace $0x8000004A;
	s29 =	ssub.s32 $0x2, s7;
	s11 =	smul.u32 $0x2800, s0  }
0xa: {  	p0 =	seq.s32 s7, $0x1;
	s20 =	sshll.u32 s0, $0x6;
	s26 =	sor.u32 s0, s9  }
0xb: {  	s10 =	sshrl.u32 s29, $0x1;
	s4 =	sadd.s32 s8, s4;
	s8 =	smul.u32 $0x2800, s26  }
0xc: {  	s20 =	sor.u32 $0x1C02, s20;
	s14 =	ssub.s32 s29, s10;
	s28 =	sshrl.u32 s4, $0x3  }
0xd: {  	s4 =	sadd.s32 $0x1800, s5;
	s14 =	smax.u32 s14, $0x1;
	s30 =	sshrl.u32 s8, $0x3  }
0xe: {  	s13 =	sadd.s32 s28, s5;
	s8 =	sshrl.u32 s31, $0x2;
	s5 =	sadd.s32 s6, s30  }
0xf: {  	s7 =	sadd.s32 s8, s2;
	s8 =	sadd.s32 s4, s11;
	s13 =	sadd.s32 $0x29800, s13  }
0x10: {  	s6 =	sadd.s32 $0xA000, s5;
	s9 =	sadd.s32 $0x4000, s7;
	s10 =	sadd.s32 $0x8000, s7  }
0x11: {  	v0 =	vimm.f32 $0.0e+00;
	s11 =	sadd.s32 $0xC000, s7;
	s12 =	sadd.s32 $0x10000, s7;
	s21 =	sshrl.u32 s7, $0x3  }
.LBB2_1:
0x12: {  	[tilespmem:s3], [sflag:$0x2] =	stream.linear.gather [hbm4b:s5+s3], $0x2780, $0x38;
	[tilespmem:$0x1D000] =	vst v63  }
0x13: {  	_ =	swait.ge [sflag:s15], $0x2780  }
0x14: {  	[sflag:s15] =	ssyncset.done $0x0  }
.Ltmp0:
0x15: {  	[sflag:s15] =	ssyncadd.s32 $0xFFFFD880;
	(pc) =	sbr.rel @!p0 .LBB2_2-.Ltmp0, $4  }
0x16: {  	[tilespmem:s16], [sflag:$0x2] =	stream.linear.gather [hbm4b:s6+s3], $0x2780, $0x38;
	[tilespmem:$0x1D000] =	vst v63  }
0x17: {  	_ =	swait.ge [sflag:s15], $0x2780  }
0x18: {  	[sflag:s15] =	ssyncset.done $0x0  }
0x19: {  	[sflag:s15] =	ssyncadd.s32 $0xFFFFD880  }
0x1a: {  	s23 =	sshra.s32 s3, $0x2;
	s24 =	sadd.s32 $0x200, s3  }
.LBB2_4:
0x1b: {  	p1 =	sne.s32 s24, $0xFE00;
	[tilespmem:s23+$0x5070] =	vst v0  }
0x1c: {  	[tilespmem:s23+$0x5000] =	vst v0  }
0x1d: {  	[tilespmem:s23+$0x5010] =	vst v0  }
.Ltmp1:
0x1e: {  	[tilespmem:s23+$0x5020] =	vst v0;
	(pc) =	sbr.rel @p1 .LBB2_4-.Ltmp1, $4  }
0x1f: {  	[tilespmem:s23+$0x5030] =	vst v0  }
0x20: {  	[tilespmem:s23+$0x5040] =	vst v0  }
0x21: {  	[tilespmem:s23+$0x5050] =	vst v0  }
0x22: {  	[tilespmem:s23+$0x5060] =	vst v0;
	s23 =	sshra.s32 s24, $0x2;
	s24 =	sadd.s32 $0x200, s24  }
0x23: {  	[tilespmem:s23+$0x5070] =	vst v0  }
0x24: {  	[tilespmem:s23+$0x5000] =	vst v0  }
0x25: {  	[tilespmem:s23+$0x5010] =	vst v0  }
0x26: {  	[tilespmem:s23+$0x5020] =	vst v0  }
0x27: {  	[tilespmem:s23+$0x5030] =	vst v0  }
0x28: {  	[tilespmem:s23+$0x5040] =	vst v0  }
0x29: {  	[tilespmem:s23+$0x5050] =	vst v0  }
0x2a: {  	[tilespmem:s23+$0x5060] =	vst v0  }
0x2b: {  	[spmem:s7] =	stream.linear.scatter [tilespmem:s17], [sflag:$0x2], $0x4000, $0x38;
	[tilespmem:$0x1D000] =	vst v63  }
0x2c: {  	_ =	swait.ge [sflag:s15], $0x4000  }
0x2d: {  	[sflag:s15] =	ssyncset.done $0x0  }
0x2e: {  	[sflag:s15] =	ssyncadd.s32 $0xFFFFC000  }
0x2f: {  	[spmem:s9] =	stream.linear.scatter [tilespmem:s17], [sflag:$0x2], $0x4000, $0x38;
	[tilespmem:$0x1D000] =	vst v63  }
0x30: {  	_ =	swait.ge [sflag:s15], $0x4000  }
0x31: {  	[sflag:s15] =	ssyncset.done $0x0  }
0x32: {  	[sflag:s15] =	ssyncadd.s32 $0xFFFFC000  }
0x33: {  	[spmem:s10] =	stream.linear.scatter [tilespmem:s17], [sflag:$0x2], $0x4000, $0x38;
	[tilespmem:$0x1D000] =	vst v63  }
0x34: {  	_ =	swait.ge [sflag:s15], $0x4000  }
0x35: {  	[sflag:s15] =	ssyncset.done $0x0  }
0x36: {  	[sflag:s15] =	ssyncadd.s32 $0xFFFFC000  }
0x37: {  	[spmem:s11] =	stream.linear.scatter [tilespmem:s17], [sflag:$0x2], $0x4000, $0x38;
	[tilespmem:$0x1D000] =	vst v63  }
0x38: {  	_ =	swait.ge [sflag:s15], $0x4000  }
0x39: {  	[sflag:s15] =	ssyncset.done $0x0  }
.Ltmp2:
0x3a: {  	[sflag:s15] =	ssyncadd.s32 $0xFFFFC000;
	(pc) =	sbr.rel .LBB2_6-.Ltmp2, $4  }
0x3b: {  	[spmem:s12] =	stream.linear.scatter [tilespmem:s17], [sflag:$0x2], $0x4000, $0x38;
	[tilespmem:$0x1D000] =	vst v63  }
0x3c: {  	_ =	swait.ge [sflag:s15], $0x4000  }
0x3d: {  	[sflag:s15] =	ssyncset.done $0x0  }
0x3e: {  	[sflag:s15] =	ssyncadd.s32 $0xFFFFC000  }
.LBB2_2:
0x3f: {  	[spmem:s21], [sflag:s20] =	dma.local [hbm:s8], $0x2800  }
0x40: {  	_ =	swait.ge [sflag:s15], $0x2800  }
0x41: {  	[sflag:s15] =	ssyncset.done $0x0  }
0x42: {  	[sflag:s15] =	ssyncadd.s32 $0xFFFFD800  }
.LBB2_6:
0x43: {  	[bflag:$0x0] =	sbarrier.arrive $0xFFFF;
	s23 =	simm.s32 $0x0  }
0x44: {  	[tilespmem:s17], [sflag:$0x1] =	stream.indirect.gather [hbm4b:s4+s18], $0x80, s23, s18, $0xb8;
	[tilespmem:$0x1D000] =	vst v63  }
0x45: {  	_ =	swait.ge [sflag:s19], $0x4000  }
0x46: {  	[sflag:s19] =	ssyncset.done $0x0  }
0x47: {  	s31 =	simm.s32 $0x2800;
	[sflag:s19] =	ssyncadd.s32 $0xFFFFC000  }
0x48: {  	[spmem:s2] =	stream.indirect.scatter.add.f32 [tilespmem:s17], [sflag:$0x2], $0x80, s31, s18, $0xb8;
	[tilespmem:$0x1D000] =	vst v63  }
0x49: {  	_ =	swait.ge [sflag:s15], $0x4000  }
0x4a: {  	s24 =	simm.s32 $0x400;
	s23 =	simm.s32 $0x200;
	[sflag:s15] =	ssyncset.done $0x0  }
.LBB2_7:
0x4b: {  	s25 =	sshra.s32 s23, $0x2  }
0x4c: {  	[sflag:s15] =	ssyncadd.s32 $0xFFFFC000;
	s23 =	smov.u32 s24;
	s26 =	sadd.s32 $0x200, s24  }
0x4d: {  	[tilespmem:s17], [sflag:$0x1] =	stream.indirect.gather [hbm4b:s4+s18], $0x80, s25, s18, $0xb8;
	[tilespmem:$0x1D000] =	vst v63  }
0x4e: {  	p1 =	sne.s32 s24, $0x9C00;
	_ =	swait.ge [sflag:s19], $0x4000  }
.Ltmp3:
0x4f: {  	[sflag:s19] =	ssyncset.done $0x0;
	(pc) =	sbr.rel @p1 .LBB2_7-.Ltmp3, $4  }
0x50: {  	s24 =	sadd.s32 $0x2800, s25;
	[sflag:s19] =	ssyncadd.s32 $0xFFFFC000  }
0x51: {  	[spmem:s2] =	stream.indirect.scatter.add.f32 [tilespmem:s17], [sflag:$0x2], $0x80, s24, s18, $0xb8;
	[tilespmem:$0x1D000] =	vst v63  }
0x52: {  	_ =	swait.ge [sflag:s15], $0x4000  }
0x53: {  	s24 =	smov.u32 s26;
	[sflag:s15] =	ssyncset.done $0x0  }
0x54: {  	s23 =	sshra.s32 s23, $0x2;
	[sflag:s15] =	ssyncadd.s32 $0xFFFFC000  }
0x55: {  	[tilespmem:s17], [sflag:$0x1] =	stream.indirect.gather [hbm4b:s4+s18], $0x80, s23, s18, $0xb8;
	[tilespmem:$0x1D000] =	vst v63  }
0x56: {  	_ =	swait.ge [sflag:s19], $0x4000  }
0x57: {  	[sflag:s19] =	ssyncset.done $0x0  }
0x58: {  	s23 =	sadd.s32 $0x2800, s23;
	[sflag:s19] =	ssyncadd.s32 $0xFFFFC000  }
0x59: {  	[spmem:s2] =	stream.indirect.scatter.add.f32 [tilespmem:s17], [sflag:$0x2], $0x80, s23, s18, $0xb8;
	[tilespmem:$0x1D000] =	vst v63  }
0x5a: {  	_ =	swait.ge [sflag:s15], $0x4000  }
0x5b: {  	s22 =	sadd.s32 $0x1, s22;
	[sflag:s15] =	ssyncset.done $0x0  }
0x5c: {  	p1 =	sne.s32 s22, s14;
	[sflag:s15] =	ssyncadd.s32 $0xFFFFC000  }
.Ltmp4:
0x5d: {  	[bflag:$0x0] =	sbarrier.arrive $0xFFFF;
	(pc) =	sbr.rel @p1 .LBB2_1-.Ltmp4, $4  }
0x5e: {  	[hbm:s13], [sflag:s20] =	dma.local [spmem:s21], $0x2800  }
0x5f: {  	_ =	swait.ge [sflag:s15], $0x2800  }
0x60: {  	[sflag:s15] =	ssyncset.done $0x0  }
0x61: {  	[sflag:s15] =	ssyncadd.s32 $0xFFFFD800  }
0x62: {  	_ =	sfence.sel $0x180000  }
0x63: {  	[bflag:$0x0] =	sbarrier.arrive $0xFFFF  }
0x64: {  	p0 =	sne.s32 s0, $0x0;
	_ =	strace $0x9000004A  }
0x65: {  	s0 =	sadd.s32 @!p0 $0x100000, s1;
	[bflag:$0x2] =	sbarrier.arrive $0xFFFF  }
0x66: {  	[sflag:s0] =	ssyncadd.tile.s32 @!p0 $0x1;
	_ =	shalt  }
.Lfunc_end2:
_tile_overlayer_lowered:
.L_overlay_start_2:
0x67: {  	(tag) =	ssettag $0x2  }
0x68: {  	s0 =	rddreg [dreg:$0x0];
	s2 =	stileid.u32  }
0x69: {  	s1 =	rddreg [dreg:$0x1];
	p0 =	sne.s32 s2, $0x0  }
0x6a: {  	s3 =	rddreg [dreg:$0x2];
	[bflag:$0x3] =	sbarrier.arrive $0xFFFF;
	s2 =	simm.s32 @!p0 $0x1C02  }
0x6b: {  	[timem:s3], [sflag:s2] =	dma.local @!p0 [hbm:s0], s1  }
0x6c: {  	s0 =	simm.s32 @!p0 $0x2  }
0x6d: {  	_ =	swait.ge @!p0 [sflag:s0], s1  }
0x6e: {  	s1 =	ssub.s32 @!p0 $0x0, s1;
	[sflag:s0] =	ssyncset.done @!p0 $0x0  }
0x6f: {  	[sflag:s0] =	ssyncadd.s32 @!p0 s1  }
0x70: {  	[bflag:$0x3] =	sbarrier.arrive $0xFFFF  }
0x71: {  	_ =	shalt  }

</sc_bundles>
